<compile_context>
chip_gen: v7x
topology: tpu7x:2x2x1
jax: 0.10.2.dev20260603
libtpu: 0.0.44.dev20260713+nightly
codegen_flags: <defaults>
</compile_context>

<pallas_src>
import functools

import jax
import jax.numpy as jnp
from jax import lax
from jax.experimental import pallas as pl
from jax.experimental.pallas import tpu as pltpu
from jax.experimental.pallas import tpu_sc as plsc

N = 10000
E = 320000
IN_C = 128
F = 64
NC, NS = 2, 16
NW = NC * NS
CHUNK = 128
NPAD = 10240
EPAD = ((E + NW * CHUNK - 1) // (NW * CHUNK)) * (NW * CHUNK)
EPW = EPAD // NW
NCHUNKS = EPW // CHUNK
NPT = NPAD // NS

_MESH = plsc.VectorSubcoreMesh(core_axis_name="c", subcore_axis_name="s")
_SC_PARAMS = pltpu.CompilerParams(use_tc_tiling_on_sc=False)


def _deg_body(row_h, col_h, w_h, out_h, idx_v, val_v, buf_v, dego_sh, degi_sh):
    cid = lax.axis_index("c")
    sid = lax.axis_index("s")
    wid = sid * NC + cid

    def _zfill(i, _):
        buf_v[pl.ds(i * 16, 16)] = jnp.zeros((16,), jnp.float32)
        return 0
    lax.fori_loop(0, NPT // 16, _zfill, 0)
    pltpu.sync_copy(buf_v, dego_sh.at[pl.ds(sid * NPT, NPT)])
    pltpu.sync_copy(buf_v, degi_sh.at[pl.ds(sid * NPT, NPT)])
    plsc.subcore_barrier()

    def _body(j, _):
        base = wid * EPW + j * CHUNK
        pltpu.sync_copy(w_h.at[pl.ds(base, CHUNK)], val_v)
        pltpu.sync_copy(row_h.at[pl.ds(base, CHUNK)], idx_v)
        pltpu.sync_copy(val_v, dego_sh.at[idx_v], add=True)
        pltpu.sync_copy(col_h.at[pl.ds(base, CHUNK)], idx_v)
        pltpu.sync_copy(val_v, degi_sh.at[idx_v], add=True)
        return 0
    lax.fori_loop(0, NCHUNKS, _body, 0)
    plsc.subcore_barrier()

    pltpu.sync_copy(dego_sh.at[pl.ds(sid * NPT, NPT)], buf_v)
    pltpu.sync_copy(buf_v, out_h.at[cid, 0, pl.ds(sid * NPT, NPT)])
    pltpu.sync_copy(degi_sh.at[pl.ds(sid * NPT, NPT)], buf_v)
    pltpu.sync_copy(buf_v, out_h.at[cid, 1, pl.ds(sid * NPT, NPT)])


_deg_call = pl.kernel(
    _deg_body,
    out_type=jax.ShapeDtypeStruct((NC, 2, NPAD), jnp.float32),
    mesh=_MESH,
    compiler_params=_SC_PARAMS,
    scratch_types=[
        pltpu.VMEM((CHUNK,), jnp.int32),
        pltpu.VMEM((CHUNK,), jnp.float32),
        pltpu.VMEM((NPT,), jnp.float32),
        pltpu.VMEM_SHARED((NPAD,), jnp.float32),
        pltpu.VMEM_SHARED((NPAD,), jnp.float32),
    ],
)


def _spmm_body(row_h, col_h, yo_h, yi_h, z_h, out_h,
               idxr_v, idxc_v, gbo_v, gbi_v, acco_sh, acci_sh):
    cid = lax.axis_index("c")
    sid = lax.axis_index("s")
    wid = sid * NC + cid

    pltpu.sync_copy(z_h, gbo_v)

    def _zinit(t, _):
        rows = sid * NPT + t * CHUNK
        pltpu.sync_copy(gbo_v, acco_sh.at[pl.ds(rows, CHUNK)])
        pltpu.sync_copy(gbo_v, acci_sh.at[pl.ds(rows, CHUNK)])
        return 0
    lax.fori_loop(0, NPT // CHUNK, _zinit, 0)
    plsc.subcore_barrier()

    def _body(j, _):
        base = wid * EPW + j * CHUNK
        pltpu.sync_copy(row_h.at[pl.ds(base, CHUNK)], idxr_v)
        pltpu.sync_copy(col_h.at[pl.ds(base, CHUNK)], idxc_v)
        pltpu.sync_copy(yo_h.at[idxr_v], gbo_v)
        pltpu.sync_copy(gbo_v, acco_sh.at[idxc_v], add=True)
        pltpu.sync_copy(yi_h.at[idxc_v], gbi_v)
        pltpu.sync_copy(gbi_v, acci_sh.at[idxr_v], add=True)
        return 0
    lax.fori_loop(0, NCHUNKS, _body, 0)
    plsc.subcore_barrier()

    def _wout(t, _):
        rows = sid * NPT + t * CHUNK
        pltpu.sync_copy(acco_sh.at[pl.ds(rows, CHUNK)], gbo_v)
        pltpu.sync_copy(gbo_v, out_h.at[cid, 0, pl.ds(rows, CHUNK), :])
        pltpu.sync_copy(acci_sh.at[pl.ds(rows, CHUNK)], gbi_v)
        pltpu.sync_copy(gbi_v, out_h.at[cid, 1, pl.ds(rows, CHUNK), :])
        return 0
    lax.fori_loop(0, NPT // CHUNK, _wout, 0)


_spmm_call = pl.kernel(
    _spmm_body,
    out_type=jax.ShapeDtypeStruct((NC, 2, NPAD, F), jnp.float32),
    mesh=_MESH,
    compiler_params=_SC_PARAMS,
    scratch_types=[
        pltpu.VMEM((CHUNK,), jnp.int32),
        pltpu.VMEM((CHUNK,), jnp.int32),
        pltpu.VMEM((CHUNK, F), jnp.float32),
        pltpu.VMEM((CHUNK, F), jnp.float32),
        pltpu.VMEM_SHARED((NPAD, F), jnp.float32),
        pltpu.VMEM_SHARED((NPAD, F), jnp.float32),
    ],
)


def _prep_body(x_ref, deg_ref, wo_ref, wi_ref, w0_ref, yo_ref, yi_ref, a0_ref):
    deg = deg_ref[...]
    xb = x_ref[...]
    inv_o = (1.0 / (deg[0] + deg[2]))[:, None]
    inv_i = (1.0 / (deg[1] + deg[3]))[:, None]
    yo_ref[...] = jnp.dot(xb * inv_o, wo_ref[...], preferred_element_type=jnp.float32)
    yi_ref[...] = jnp.dot(xb * inv_i, wi_ref[...], preferred_element_type=jnp.float32)
    a0_ref[...] = jnp.dot(xb, w0_ref[...], preferred_element_type=jnp.float32)


def _combine_body(sp_ref, a0_ref, bzh_ref, wl_ref, bl_ref, out_ref):
    s = sp_ref[...]
    a = a0_ref[...] + s[0] + s[1] + s[2] + s[3] + bzh_ref[...]
    z = jax.nn.sigmoid(a[:, :32])
    ht = jnp.tanh(a[:, 32:])
    h = jax.nn.relu((1.0 - z) * ht)
    out_ref[...] = jnp.sum(h * wl_ref[...], axis=1, keepdims=True) + bl_ref[...]


def kernel(x, edge_index, edge_weight, Wz, bz, Wr, br, Wh, bh, W_lin, b_lin):
    row = edge_index[0]
    col = edge_index[1]
    pad_n = EPAD - E
    pad_idx = (jnp.arange(pad_n, dtype=jnp.int32) % (NPAD - N)) + N
    row_p = jnp.concatenate([row, pad_idx])
    col_p = jnp.concatenate([col, pad_idx])
    w_p = jnp.concatenate([edge_weight, jnp.zeros((pad_n,), jnp.float32)])
    x_pad = jnp.pad(x, ((0, NPAD - N), (0, 0)))

    Wo = jnp.concatenate([Wz[0, 1, :IN_C], Wh[0, 1, :IN_C]], axis=1)
    Wi = jnp.concatenate([Wz[1, 1, :IN_C], Wh[1, 1, :IN_C]], axis=1)
    W0 = jnp.concatenate([Wz[0, 0, :IN_C] + Wz[1, 0, :IN_C],
                          Wh[0, 0, :IN_C] + Wh[1, 0, :IN_C]], axis=1)
    bzh = jnp.concatenate([bz, bh]).reshape(1, F)
    wlT = W_lin.reshape(1, 32)
    bl = b_lin.reshape(1, 1)

    deg_part = _deg_call(row_p, col_p, w_p)
    deg4 = deg_part.reshape(4, NPAD)

    B = 512
    grid = (NPAD // B,)
    yo, yi, a0 = pl.pallas_call(
        _prep_body,
        grid=grid,
        in_specs=[
            pl.BlockSpec((B, IN_C), lambda i: (i, 0)),
            pl.BlockSpec((4, B), lambda i: (0, i)),
            pl.BlockSpec((IN_C, F), lambda i: (0, 0)),
            pl.BlockSpec((IN_C, F), lambda i: (0, 0)),
            pl.BlockSpec((IN_C, F), lambda i: (0, 0)),
        ],
        out_specs=[
            pl.BlockSpec((B, F), lambda i: (i, 0)),
            pl.BlockSpec((B, F), lambda i: (i, 0)),
            pl.BlockSpec((B, F), lambda i: (i, 0)),
        ],
        out_shape=[jax.ShapeDtypeStruct((NPAD, F), jnp.float32)] * 3,
    )(x_pad, deg4, Wo, Wi, W0)

    zeros_src = jnp.zeros((CHUNK, F), jnp.float32)
    s_part = _spmm_call(row_p, col_p, yo, yi, zeros_src)
    s4 = s_part.reshape(4, NPAD, F)

    out = pl.pallas_call(
        _combine_body,
        grid=grid,
        in_specs=[
            pl.BlockSpec((4, B, F), lambda i: (0, i, 0)),
            pl.BlockSpec((B, F), lambda i: (i, 0)),
            pl.BlockSpec((1, F), lambda i: (0, 0)),
            pl.BlockSpec((1, 32), lambda i: (0, 0)),
            pl.BlockSpec((1, 1), lambda i: (0, 0)),
        ],
        out_specs=pl.BlockSpec((B, 1), lambda i: (i, 0)),
        out_shape=jax.ShapeDtypeStruct((NPAD, 1), jnp.float32),
    )(s4, a0, bzh, wlT, bl)

    return out[:N]

# --- scband reference (transcript-rebuilt; emitter-appended) ---
"""Pipeline reference for scband-my-dcrnn-41901700940309 (READ-ONLY COPY).

The authoritative reference and input builder live on the scoring server;
editing this copy changes nothing except your own understanding.
"""

import jax, jax.numpy as jnp
import numpy as np

N_NODES = 10000
N_EDGES = 320000
IN_C = 128
OUT_C = 32
K = 2


def setup_inputs(seed: int = 0):
    key = jax.random.key(seed)
    ks = jax.random.split(key, 10)
    x = jax.random.normal(ks[0], (N_NODES, IN_C), dtype=jnp.float32)
    edge_index = jax.random.randint(ks[1], (2, N_EDGES), 0, N_NODES, dtype=jnp.int32)
    edge_weight = jax.random.uniform(ks[2], (N_EDGES,), dtype=jnp.float32)
    cin = IN_C + OUT_C
    s = 0.05
    Wz = jax.random.normal(ks[3], (2, K, cin, OUT_C), dtype=jnp.float32) * s
    bz = jnp.zeros((OUT_C,), dtype=jnp.float32)
    Wr = jax.random.normal(ks[4], (2, K, cin, OUT_C), dtype=jnp.float32) * s
    br = jnp.zeros((OUT_C,), dtype=jnp.float32)
    Wh = jax.random.normal(ks[5], (2, K, cin, OUT_C), dtype=jnp.float32) * s
    bh = jnp.zeros((OUT_C,), dtype=jnp.float32)
    W_lin = jax.random.normal(ks[6], (OUT_C, 1), dtype=jnp.float32) * s
    b_lin = jnp.zeros((1,), dtype=jnp.float32)
    return {"x": x, "edge_index": edge_index, "edge_weight": edge_weight,
            "Wz": Wz, "bz": bz, "Wr": Wr, "br": br, "Wh": Wh, "bh": bh,
            "W_lin": W_lin, "b_lin": b_lin}


def _dconv(X, edge_index, edge_weight, weight, bias):
    # Faithful port of torch_geometric_temporal DConv (diffusion convolution).
    # Degrees computed via scatter-add == row/col sums of to_dense_adj (dupes summed).
    n = X.shape[0]
    row, col = edge_index[0], edge_index[1]
    deg_out = jnp.zeros((n,), X.dtype).at[row].add(edge_weight)
    deg_in = jnp.zeros((n,), X.dtype).at[col].add(edge_weight)
    deg_out_inv = 1.0 / deg_out
    deg_in_inv = 1.0 / deg_in
    norm_out = deg_out_inv[row]
    norm_in = deg_in_inv[col]
    H = X @ weight[0, 0] + X @ weight[1, 0]
    if weight.shape[1] > 1:
        # propagate(edge_index, x=X, norm=norm_out): msg = norm * x[src], sum at dst
        Tx_1_o = jnp.zeros_like(X).at[col].add(norm_out[:, None] * X[row])
        # propagate(edge_index.flip([0]), x=X, norm=norm_in): msg = norm * x[dst], sum at src
        Tx_1_i = jnp.zeros_like(X).at[row].add(norm_in[:, None] * X[col])
        H = H + Tx_1_o @ weight[0, 1] + Tx_1_i @ weight[1, 1]
        Tx_0o = X
        Tx_0i = X
        for k in range(2, weight.shape[1]):
            Tx_2_o = jnp.zeros_like(X).at[col].add(norm_out[:, None] * Tx_1_o[row])
            Tx_2_o = 2.0 * Tx_2_o - Tx_0o
            Tx_2_i = jnp.zeros_like(X).at[row].add(norm_in[:, None] * Tx_1_i[col])
            Tx_2_i = 2.0 * Tx_2_i - Tx_0i
            H = H + Tx_2_o @ weight[0, k] + Tx_2_i @ weight[1, k]
            Tx_0o, Tx_1_o = Tx_1_o, Tx_2_o
            Tx_0i, Tx_1_i = Tx_1_i, Tx_2_i
    return H + bias


def reference(x, edge_index, edge_weight, Wz, bz, Wr, br, Wh, bh, W_lin, b_lin):
    # DCRNN cell (single step, H initialized to zeros) + ReLU + Linear(out->1)
    H = jnp.zeros((x.shape[0], OUT_C), dtype=x.dtype)
    XH = jnp.concatenate([x, H], axis=-1)
    Z = jax.nn.sigmoid(_dconv(XH, edge_index, edge_weight, Wz, bz))
    R = jax.nn.sigmoid(_dconv(XH, edge_index, edge_weight, Wr, br))
    XHR = jnp.concatenate([x, H * R], axis=-1)
    H_tilde = jnp.tanh(_dconv(XHR, edge_index, edge_weight, Wh, bh))
    H = Z * H + (1.0 - Z) * H_tilde
    h = jax.nn.relu(H)
    return h @ W_lin + b_lin

if __name__ == "__main__":
    import jax
    _d = setup_inputs()
    print(jax.jit(kernel)(*tuple(_d.values())))

</pallas_src>

<mosaic_0001>
#map = affine_map<(d0, d1) -> (0)>
#map1 = affine_map<(d0, d1) -> (0, 0, 0)>
module attributes {stable_mosaic.version = 14 : i64} {
  func.func @_deg_body(%arg0: i32, %arg1: i32, %arg2: memref<323584xi32, #tpu.memory_space<hbm>>, %arg3: memref<323584xi32, #tpu.memory_space<hbm>>, %arg4: memref<323584xf32, #tpu.memory_space<hbm>>, %arg5: memref<2x2x10240xf32, #tpu.memory_space<hbm>>, %arg6: memref<128xi32, #tpu.memory_space<vmem>>, %arg7: memref<128xf32, #tpu.memory_space<vmem>>, %arg8: memref<640xf32, #tpu.memory_space<vmem>>, %arg9: memref<10240xf32, #tpu.memory_space<vmem_shared>>, %arg10: memref<10240xf32, #tpu.memory_space<vmem_shared>>) attributes {dimension_semantics = [#tpu.dimension_semantics<core_parallel>, #tpu.dimension_semantics<subcore_parallel>], iteration_bounds = array<i64: 2, 16>, scalar_prefetch = 0 : i64, scratch_operands = 5 : i64, tpu.core_type = #tpu.core_type<sc_vector_subcore>, window_params = [{transform_indices = #map}, {transform_indices = #map}, {transform_indices = #map}, {transform_indices = #map1}]} {
    %mul3A = arith.constant 2 : i32
    %mul3A_0 = arith.muli %arg1, %mul3A : i32
    %add3A = arith.addi %mul3A_0, %arg0 : i32
    %scan3A = arith.constant 0 : i32
    %scan3A_1 = arith.constant 0 : i32
    %scan3A_2 = arith.constant 40 : i32
    %scan3A_3 = arith.addi %scan3A_1, %scan3A_2 : i32
    %scan3A_4 = arith.constant 1 : i32
    %scan3A_5 = scf.for %scan3A_28 = %scan3A_1 to %scan3A_3 step %scan3A_4 iter_args(%scan3A_29 = %scan3A) -> (i32)  : i32 {
      %broadcast_in_dim3A = arith.constant 0.000000e+00 : f32
      %broadcast_in_dim3A_30 = vector.broadcast %broadcast_in_dim3A : f32 to vector<16xf32>
      %mul3A_31 = arith.constant 16 : i32
      %mul3A_32 = arith.muli %scan3A_28, %mul3A_31 : i32
      %swap3A = arith.index_cast %mul3A_32 : i32 to index
      %swap3A_33 = tpu.vector_load %arg8[%swap3A] {strides = array<i32>} : memref<640xf32, #tpu.memory_space<vmem>>, vector<16xf32>,
      %swap3A_34 = vector.shape_cast %swap3A_33 : vector<16xf32> to vector<16xf32>
      %swap3A_35 = vector.shape_cast %broadcast_in_dim3A_30 : vector<16xf32> to vector<16xf32>
      tpu.vector_store %arg8[%swap3A], %swap3A_35 {strides = array<i32>} : memref<640xf32, #tpu.memory_space<vmem>>, vector<16xf32>,
      %scan3A_36 = arith.constant 0 : i32
      scf.yield %scan3A_36 : i32
    }
    %scan3A_6 = arith.constant 40 : i32
    %mul3A_7 = arith.constant 640 : i32
    %mul3A_8 = arith.muli %arg1, %mul3A_7 : i32
    "tpu.region"() ({
      %run_scoped3A_28 = tpu.sem_alloc : memref<!tpu.dma_semaphore, #tpu.memory_space<semaphore_mem>>
      %dma_start3A = tpu.memref_slice %arg9[%mul3A_8] : memref<10240xf32, #tpu.memory_space<vmem_shared>> -> memref<640xf32, #tpu.memory_space<vmem_shared>>
      %dma_start3A_29 = tpu.memref_slice %arg9[%mul3A_8] : memref<10240xf32, #tpu.memory_space<vmem_shared>> -> memref<640xf32, #tpu.memory_space<vmem_shared>>
      tpu.enqueue_dma source(%arg8 : memref<640xf32, #tpu.memory_space<vmem>>) target(%dma_start3A_29 : memref<640xf32, #tpu.memory_space<vmem_shared>>) target_semaphore(%run_scoped3A_28 : memref<!tpu.dma_semaphore, #tpu.memory_space<semaphore_mem>>)
      %dma_wait3A = tpu.memref_slice %arg9[%mul3A_8] : memref<10240xf32, #tpu.memory_space<vmem_shared>> -> memref<640xf32, #tpu.memory_space<vmem_shared>>
      %dma_wait3A_30 = tpu.memref_slice %arg9[%mul3A_8] : memref<10240xf32, #tpu.memory_space<vmem_shared>> -> memref<640xf32, #tpu.memory_space<vmem_shared>>
      tpu.wait_dma2 semaphore(%run_scoped3A_28 : memref<!tpu.dma_semaphore, #tpu.memory_space<semaphore_mem>>) src(%arg8 : memref<640xf32, #tpu.memory_space<vmem>>) dst(%dma_wait3A_30 : memref<640xf32, #tpu.memory_space<vmem_shared>>)
      tpu.yield
    }) : () -> ()
    %mul3A_9 = arith.constant 640 : i32
    %mul3A_10 = arith.muli %arg1, %mul3A_9 : i32
    "tpu.region"() ({
      %run_scoped3A_28 = tpu.sem_alloc : memref<!tpu.dma_semaphore, #tpu.memory_space<semaphore_mem>>
      %dma_start3A = tpu.memref_slice %arg10[%mul3A_10] : memref<10240xf32, #tpu.memory_space<vmem_shared>> -> memref<640xf32, #tpu.memory_space<vmem_shared>>
      %dma_start3A_29 = tpu.memref_slice %arg10[%mul3A_10] : memref<10240xf32, #tpu.memory_space<vmem_shared>> -> memref<640xf32, #tpu.memory_space<vmem_shared>>
      tpu.enqueue_dma source(%arg8 : memref<640xf32, #tpu.memory_space<vmem>>) target(%dma_start3A_29 : memref<640xf32, #tpu.memory_space<vmem_shared>>) target_semaphore(%run_scoped3A_28 : memref<!tpu.dma_semaphore, #tpu.memory_space<semaphore_mem>>)
      %dma_wait3A = tpu.memref_slice %arg10[%mul3A_10] : memref<10240xf32, #tpu.memory_space<vmem_shared>> -> memref<640xf32, #tpu.memory_space<vmem_shared>>
      %dma_wait3A_30 = tpu.memref_slice %arg10[%mul3A_10] : memref<10240xf32, #tpu.memory_space<vmem_shared>> -> memref<640xf32, #tpu.memory_space<vmem_shared>>
      tpu.wait_dma2 semaphore(%run_scoped3A_28 : memref<!tpu.dma_semaphore, #tpu.memory_space<semaphore_mem>>) src(%arg8 : memref<640xf32, #tpu.memory_space<vmem>>) dst(%dma_wait3A_30 : memref<640xf32, #tpu.memory_space<vmem_shared>>)
      tpu.yield
    }) : () -> ()
    %barrier3A = arith.constant 0 : index
    tpu.barrier barrier_id(%barrier3A)
    %scan3A_11 = arith.constant 0 : i32
    %scan3A_12 = arith.constant 0 : i32
    %scan3A_13 = arith.constant 79 : i32
    %scan3A_14 = arith.addi %scan3A_12, %scan3A_13 : i32
    %scan3A_15 = arith.constant 1 : i32
    %scan3A_16 = scf.for %scan3A_28 = %scan3A_12 to %scan3A_14 step %scan3A_15 iter_args(%scan3A_29 = %scan3A_11) -> (i32)  : i32 {
      %mul3A_30 = arith.constant 10112 : i32
      %mul3A_31 = arith.muli %add3A, %mul3A_30 : i32
      %mul3A_32 = arith.constant 128 : i32
      %mul3A_33 = arith.muli %scan3A_28, %mul3A_32 : i32
      %add3A_34 = arith.addi %mul3A_31, %mul3A_33 : i32
      "tpu.region"() ({
        %run_scoped3A_36 = tpu.sem_alloc : memref<!tpu.dma_semaphore, #tpu.memory_space<semaphore_mem>>
        %dma_start3A = tpu.memref_slice %arg4[%add3A_34] : memref<323584xf32, #tpu.memory_space<hbm>> -> memref<128xf32, #tpu.memory_space<hbm>>
        %dma_start3A_37 = tpu.memref_slice %arg4[%add3A_34] : memref<323584xf32, #tpu.memory_space<hbm>> -> memref<128xf32, #tpu.memory_space<hbm>>
        tpu.enqueue_dma source(%dma_start3A_37 : memref<128xf32, #tpu.memory_space<hbm>>) target(%arg7 : memref<128xf32, #tpu.memory_space<vmem>>) target_semaphore(%run_scoped3A_36 : memref<!tpu.dma_semaphore, #tpu.memory_space<semaphore_mem>>)
        %dma_wait3A = tpu.memref_slice %arg4[%add3A_34] : memref<323584xf32, #tpu.memory_space<hbm>> -> memref<128xf32, #tpu.memory_space<hbm>>
        %dma_wait3A_38 = tpu.memref_slice %arg4[%add3A_34] : memref<323584xf32, #tpu.memory_space<hbm>> -> memref<128xf32, #tpu.memory_space<hbm>>
        tpu.wait_dma2 semaphore(%run_scoped3A_36 : memref<!tpu.dma_semaphore, #tpu.memory_space<semaphore_mem>>) src(%dma_wait3A_38 : memref<128xf32, #tpu.memory_space<hbm>>) dst(%arg7 : memref<128xf32, #tpu.memory_space<vmem>>)
        tpu.yield
      }) : () -> ()
      "tpu.region"() ({
        %run_scoped3A_36 = tpu.sem_alloc : memref<!tpu.dma_semaphore, #tpu.memory_space<semaphore_mem>>
        %dma_start3A = tpu.memref_slice %arg2[%add3A_34] : memref<323584xi32, #tpu.memory_space<hbm>> -> memref<128xi32, #tpu.memory_space<hbm>>
        %dma_start3A_37 = tpu.memref_slice %arg2[%add3A_34] : memref<323584xi32, #tpu.memory_space<hbm>> -> memref<128xi32, #tpu.memory_space<hbm>>
        tpu.enqueue_dma source(%dma_start3A_37 : memref<128xi32, #tpu.memory_space<hbm>>) target(%arg6 : memref<128xi32, #tpu.memory_space<vmem>>) target_semaphore(%run_scoped3A_36 : memref<!tpu.dma_semaphore, #tpu.memory_space<semaphore_mem>>)
        %dma_wait3A = tpu.memref_slice %arg2[%add3A_34] : memref<323584xi32, #tpu.memory_space<hbm>> -> memref<128xi32, #tpu.memory_space<hbm>>
        %dma_wait3A_38 = tpu.memref_slice %arg2[%add3A_34] : memref<323584xi32, #tpu.memory_space<hbm>> -> memref<128xi32, #tpu.memory_space<hbm>>
        tpu.wait_dma2 semaphore(%run_scoped3A_36 : memref<!tpu.dma_semaphore, #tpu.memory_space<semaphore_mem>>) src(%dma_wait3A_38 : memref<128xi32, #tpu.memory_space<hbm>>) dst(%arg6 : memref<128xi32, #tpu.memory_space<vmem>>)
        tpu.yield
      }) : () -> ()
      "tpu.region"() ({
        %run_scoped3A_36 = tpu.sem_alloc : memref<!tpu.dma_semaphore, #tpu.memory_space<semaphore_mem>>
        %dma_start3A = arith.constant 0 : i32
        %dma_start3A_37 = tpu.memref_slice %arg9[%dma_start3A] : memref<10240xf32, #tpu.memory_space<vmem_shared>> -> memref<10240xf32, #tpu.memory_space<vmem_shared>>
        tpu.enqueue_indirect_dma source(%arg7 : memref<128xf32, #tpu.memory_space<vmem>>) target(%dma_start3A_37 : memref<10240xf32, #tpu.memory_space<vmem_shared>>) offsets(%arg6 : memref<128xi32, #tpu.memory_space<vmem>>) semaphore(%run_scoped3A_36 : memref<!tpu.dma_semaphore, #tpu.memory_space<semaphore_mem>>) {add = true}
        %dma_wait3A = arith.constant 0 : i32
        %dma_wait3A_38 = tpu.memref_slice %arg9[%dma_wait3A] : memref<10240xf32, #tpu.memory_space<vmem_shared>> -> memref<10240xf32, #tpu.memory_space<vmem_shared>>
        tpu.wait_indirect_dma semaphore(%run_scoped3A_36 : memref<!tpu.dma_semaphore, #tpu.memory_space<semaphore_mem>>) src(%arg7 : memref<128xf32, #tpu.memory_space<vmem>>) dst(%dma_wait3A_38 : memref<10240xf32, #tpu.memory_space<vmem_shared>>)
        tpu.yield
      }) : () -> ()
      "tpu.region"() ({
        %run_scoped3A_36 = tpu.sem_alloc : memref<!tpu.dma_semaphore, #tpu.memory_space<semaphore_mem>>
        %dma_start3A = tpu.memref_slice %arg3[%add3A_34] : memref<323584xi32, #tpu.memory_space<hbm>> -> memref<128xi32, #tpu.memory_space<hbm>>
        %dma_start3A_37 = tpu.memref_slice %arg3[%add3A_34] : memref<323584xi32, #tpu.memory_space<hbm>> -> memref<128xi32, #tpu.memory_space<hbm>>
        tpu.enqueue_dma source(%dma_start3A_37 : memref<128xi32, #tpu.memory_space<hbm>>) target(%arg6 : memref<128xi32, #tpu.memory_space<vmem>>) target_semaphore(%run_scoped3A_36 : memref<!tpu.dma_semaphore, #tpu.memory_space<semaphore_mem>>)
        %dma_wait3A = tpu.memref_slice %arg3[%add3A_34] : memref<323584xi32, #tpu.memory_space<hbm>> -> memref<128xi32, #tpu.memory_space<hbm>>
        %dma_wait3A_38 = tpu.memref_slice %arg3[%add3A_34] : memref<323584xi32, #tpu.memory_space<hbm>> -> memref<128xi32, #tpu.memory_space<hbm>>
        tpu.wait_dma2 semaphore(%run_scoped3A_36 : memref<!tpu.dma_semaphore, #tpu.memory_space<semaphore_mem>>) src(%dma_wait3A_38 : memref<128xi32, #tpu.memory_space<hbm>>) dst(%arg6 : memref<128xi32, #tpu.memory_space<vmem>>)
        tpu.yield
      }) : () -> ()
      "tpu.region"() ({
        %run_scoped3A_36 = tpu.sem_alloc : memref<!tpu.dma_semaphore, #tpu.memory_space<semaphore_mem>>
        %dma_start3A = arith.constant 0 : i32
        %dma_start3A_37 = tpu.memref_slice %arg10[%dma_start3A] : memref<10240xf32, #tpu.memory_space<vmem_shared>> -> memref<10240xf32, #tpu.memory_space<vmem_shared>>
        tpu.enqueue_indirect_dma source(%arg7 : memref<128xf32, #tpu.memory_space<vmem>>) target(%dma_start3A_37 : memref<10240xf32, #tpu.memory_space<vmem_shared>>) offsets(%arg6 : memref<128xi32, #tpu.memory_space<vmem>>) semaphore(%run_scoped3A_36 : memref<!tpu.dma_semaphore, #tpu.memory_space<semaphore_mem>>) {add = true}
        %dma_wait3A = arith.constant 0 : i32
        %dma_wait3A_38 = tpu.memref_slice %arg10[%dma_wait3A] : memref<10240xf32, #tpu.memory_space<vmem_shared>> -> memref<10240xf32, #tpu.memory_space<vmem_shared>>
        tpu.wait_indirect_dma semaphore(%run_scoped3A_36 : memref<!tpu.dma_semaphore, #tpu.memory_space<semaphore_mem>>) src(%arg7 : memref<128xf32, #tpu.memory_space<vmem>>) dst(%dma_wait3A_38 : memref<10240xf32, #tpu.memory_space<vmem_shared>>)
        tpu.yield
      }) : () -> ()
      %scan3A_35 = arith.constant 0 : i32
      scf.yield %scan3A_35 : i32
    }
    %scan3A_17 = arith.constant 79 : i32
    %barrier3A_18 = arith.constant 0 : index
    tpu.barrier barrier_id(%barrier3A_18)
    %mul3A_19 = arith.constant 640 : i32
    %mul3A_20 = arith.muli %arg1, %mul3A_19 : i32
    "tpu.region"() ({
      %run_scoped3A_28 = tpu.sem_alloc : memref<!tpu.dma_semaphore, #tpu.memory_space<semaphore_mem>>
      %dma_start3A = tpu.memref_slice %arg9[%mul3A_20] : memref<10240xf32, #tpu.memory_space<vmem_shared>> -> memref<640xf32, #tpu.memory_space<vmem_shared>>
      %dma_start3A_29 = tpu.memref_slice %arg9[%mul3A_20] : memref<10240xf32, #tpu.memory_space<vmem_shared>> -> memref<640xf32, #tpu.memory_space<vmem_shared>>
      tpu.enqueue_dma source(%dma_start3A_29 : memref<640xf32, #tpu.memory_space<vmem_shared>>) target(%arg8 : memref<640xf32, #tpu.memory_space<vmem>>) target_semaphore(%run_scoped3A_28 : memref<!tpu.dma_semaphore, #tpu.memory_space<semaphore_mem>>)
      %dma_wait3A = tpu.memref_slice %arg9[%mul3A_20] : memref<10240xf32, #tpu.memory_space<vmem_shared>> -> memref<640xf32, #tpu.memory_space<vmem_shared>>
      %dma_wait3A_30 = tpu.memref_slice %arg9[%mul3A_20] : memref<10240xf32, #tpu.memory_space<vmem_shared>> -> memref<640xf32, #tpu.memory_space<vmem_shared>>
      tpu.wait_dma2 semaphore(%run_scoped3A_28 : memref<!tpu.dma_semaphore, #tpu.memory_space<semaphore_mem>>) src(%dma_wait3A_30 : memref<640xf32, #tpu.memory_space<vmem_shared>>) dst(%arg8 : memref<640xf32, #tpu.memory_space<vmem>>)
      tpu.yield
    }) : () -> ()
    %mul3A_21 = arith.constant 640 : i32
    %mul3A_22 = arith.muli %arg1, %mul3A_21 : i32
    %run_scoped3A = arith.constant 0 : i32
    "tpu.region"() ({
      %run_scoped3A_28 = tpu.sem_alloc : memref<!tpu.dma_semaphore, #tpu.memory_space<semaphore_mem>>
      %dma_start3A = tpu.memref_slice %arg5[%arg0, %run_scoped3A, %mul3A_22] : memref<2x2x10240xf32, #tpu.memory_space<hbm>> -> memref<1x1x640xf32, #tpu.memory_space<hbm>>
      %dma_start3A_29 = tpu.memref_squeeze %dma_start3A : memref<1x1x640xf32, #tpu.memory_space<hbm>> -> memref<640xf32, #tpu.memory_space<hbm>>
      %dma_start3A_30 = tpu.memref_slice %arg5[%arg0, %run_scoped3A, %mul3A_22] : memref<2x2x10240xf32, #tpu.memory_space<hbm>> -> memref<1x1x640xf32, #tpu.memory_space<hbm>>
      %dma_start3A_31 = tpu.memref_squeeze %dma_start3A_30 : memref<1x1x640xf32, #tpu.memory_space<hbm>> -> memref<640xf32, #tpu.memory_space<hbm>>
      tpu.enqueue_dma source(%arg8 : memref<640xf32, #tpu.memory_space<vmem>>) target(%dma_start3A_31 : memref<640xf32, #tpu.memory_space<hbm>>) target_semaphore(%run_scoped3A_28 : memref<!tpu.dma_semaphore, #tpu.memory_space<semaphore_mem>>)
      %dma_wait3A = tpu.memref_slice %arg5[%arg0, %run_scoped3A, %mul3A_22] : memref<2x2x10240xf32, #tpu.memory_space<hbm>> -> memref<1x1x640xf32, #tpu.memory_space<hbm>>
      %dma_wait3A_32 = tpu.memref_squeeze %dma_wait3A : memref<1x1x640xf32, #tpu.memory_space<hbm>> -> memref<640xf32, #tpu.memory_space<hbm>>
      %dma_wait3A_33 = tpu.memref_slice %arg5[%arg0, %run_scoped3A, %mul3A_22] : memref<2x2x10240xf32, #tpu.memory_space<hbm>> -> memref<1x1x640xf32, #tpu.memory_space<hbm>>
      %dma_wait3A_34 = tpu.memref_squeeze %dma_wait3A_33 : memref<1x1x640xf32, #tpu.memory_space<hbm>> -> memref<640xf32, #tpu.memory_space<hbm>>
      tpu.wait_dma2 semaphore(%run_scoped3A_28 : memref<!tpu.dma_semaphore, #tpu.memory_space<semaphore_mem>>) src(%arg8 : memref<640xf32, #tpu.memory_space<vmem>>) dst(%dma_wait3A_34 : memref<640xf32, #tpu.memory_space<hbm>>)
      tpu.yield
    }) : () -> ()
    %mul3A_23 = arith.constant 640 : i32
    %mul3A_24 = arith.muli %arg1, %mul3A_23 : i32
    "tpu.region"() ({
      %run_scoped3A_28 = tpu.sem_alloc : memref<!tpu.dma_semaphore, #tpu.memory_space<semaphore_mem>>
      %dma_start3A = tpu.memref_slice %arg10[%mul3A_24] : memref<10240xf32, #tpu.memory_space<vmem_shared>> -> memref<640xf32, #tpu.memory_space<vmem_shared>>
      %dma_start3A_29 = tpu.memref_slice %arg10[%mul3A_24] : memref<10240xf32, #tpu.memory_space<vmem_shared>> -> memref<640xf32, #tpu.memory_space<vmem_shared>>
      tpu.enqueue_dma source(%dma_start3A_29 : memref<640xf32, #tpu.memory_space<vmem_shared>>) target(%arg8 : memref<640xf32, #tpu.memory_space<vmem>>) target_semaphore(%run_scoped3A_28 : memref<!tpu.dma_semaphore, #tpu.memory_space<semaphore_mem>>)
      %dma_wait3A = tpu.memref_slice %arg10[%mul3A_24] : memref<10240xf32, #tpu.memory_space<vmem_shared>> -> memref<640xf32, #tpu.memory_space<vmem_shared>>
      %dma_wait3A_30 = tpu.memref_slice %arg10[%mul3A_24] : memref<10240xf32, #tpu.memory_space<vmem_shared>> -> memref<640xf32, #tpu.memory_space<vmem_shared>>
      tpu.wait_dma2 semaphore(%run_scoped3A_28 : memref<!tpu.dma_semaphore, #tpu.memory_space<semaphore_mem>>) src(%dma_wait3A_30 : memref<640xf32, #tpu.memory_space<vmem_shared>>) dst(%arg8 : memref<640xf32, #tpu.memory_space<vmem>>)
      tpu.yield
    }) : () -> ()
    %mul3A_25 = arith.constant 640 : i32
    %mul3A_26 = arith.muli %arg1, %mul3A_25 : i32
    %run_scoped3A_27 = arith.constant 1 : i32
    "tpu.region"() ({
      %run_scoped3A_28 = tpu.sem_alloc : memref<!tpu.dma_semaphore, #tpu.memory_space<semaphore_mem>>
      %dma_start3A = tpu.memref_slice %arg5[%arg0, %run_scoped3A_27, %mul3A_26] : memref<2x2x10240xf32, #tpu.memory_space<hbm>> -> memref<1x1x640xf32, #tpu.memory_space<hbm>>
      %dma_start3A_29 = tpu.memref_squeeze %dma_start3A : memref<1x1x640xf32, #tpu.memory_space<hbm>> -> memref<640xf32, #tpu.memory_space<hbm>>
      %dma_start3A_30 = tpu.memref_slice %arg5[%arg0, %run_scoped3A_27, %mul3A_26] : memref<2x2x10240xf32, #tpu.memory_space<hbm>> -> memref<1x1x640xf32, #tpu.memory_space<hbm>>
      %dma_start3A_31 = tpu.memref_squeeze %dma_start3A_30 : memref<1x1x640xf32, #tpu.memory_space<hbm>> -> memref<640xf32, #tpu.memory_space<hbm>>
      tpu.enqueue_dma source(%arg8 : memref<640xf32, #tpu.memory_space<vmem>>) target(%dma_start3A_31 : memref<640xf32, #tpu.memory_space<hbm>>) target_semaphore(%run_scoped3A_28 : memref<!tpu.dma_semaphore, #tpu.memory_space<semaphore_mem>>)
      %dma_wait3A = tpu.memref_slice %arg5[%arg0, %run_scoped3A_27, %mul3A_26] : memref<2x2x10240xf32, #tpu.memory_space<hbm>> -> memref<1x1x640xf32, #tpu.memory_space<hbm>>
      %dma_wait3A_32 = tpu.memref_squeeze %dma_wait3A : memref<1x1x640xf32, #tpu.memory_space<hbm>> -> memref<640xf32, #tpu.memory_space<hbm>>
      %dma_wait3A_33 = tpu.memref_slice %arg5[%arg0, %run_scoped3A_27, %mul3A_26] : memref<2x2x10240xf32, #tpu.memory_space<hbm>> -> memref<1x1x640xf32, #tpu.memory_space<hbm>>
      %dma_wait3A_34 = tpu.memref_squeeze %dma_wait3A_33 : memref<1x1x640xf32, #tpu.memory_space<hbm>> -> memref<640xf32, #tpu.memory_space<hbm>>
      tpu.wait_dma2 semaphore(%run_scoped3A_28 : memref<!tpu.dma_semaphore, #tpu.memory_space<semaphore_mem>>) src(%arg8 : memref<640xf32, #tpu.memory_space<vmem>>) dst(%dma_wait3A_34 : memref<640xf32, #tpu.memory_space<hbm>>)
      tpu.yield
    }) : () -> ()
    return
  }
}

#map = affine_map<(d0, d1) -> (0)>
#map1 = affine_map<(d0, d1) -> (0, 0)>
#map2 = affine_map<(d0, d1) -> (0, 0, 0, 0)>
module attributes {stable_mosaic.version = 14 : i64} {
  func.func @_spmm_body(%arg0: i32, %arg1: i32, %arg2: memref<323584xi32, #tpu.memory_space<hbm>>, %arg3: memref<323584xi32, #tpu.memory_space<hbm>>, %arg4: memref<10240x64xf32, #tpu.memory_space<hbm>>, %arg5: memref<10240x64xf32, #tpu.memory_space<hbm>>, %arg6: memref<128x64xf32, #tpu.memory_space<hbm>>, %arg7: memref<2x2x10240x64xf32, #tpu.memory_space<hbm>>, %arg8: memref<128xi32, #tpu.memory_space<vmem>>, %arg9: memref<128xi32, #tpu.memory_space<vmem>>, %arg10: memref<128x64xf32, #tpu.memory_space<vmem>>, %arg11: memref<128x64xf32, #tpu.memory_space<vmem>>, %arg12: memref<10240x64xf32, #tpu.memory_space<vmem_shared>>, %arg13: memref<10240x64xf32, #tpu.memory_space<vmem_shared>>) attributes {dimension_semantics = [#tpu.dimension_semantics<core_parallel>, #tpu.dimension_semantics<subcore_parallel>], iteration_bounds = array<i64: 2, 16>, scalar_prefetch = 0 : i64, scratch_operands = 6 : i64, tpu.core_type = #tpu.core_type<sc_vector_subcore>, window_params = [{transform_indices = #map}, {transform_indices = #map}, {transform_indices = #map1}, {transform_indices = #map1}, {transform_indices = #map1}, {transform_indices = #map2}]} {
    %mul3A = arith.constant 2 : i32
    %mul3A_0 = arith.muli %arg1, %mul3A : i32
    %add3A = arith.addi %mul3A_0, %arg0 : i32
    "tpu.region"() ({
      %run_scoped3A = tpu.sem_alloc : memref<!tpu.dma_semaphore, #tpu.memory_space<semaphore_mem>>
      tpu.enqueue_dma source(%arg6 : memref<128x64xf32, #tpu.memory_space<hbm>>) target(%arg10 : memref<128x64xf32, #tpu.memory_space<vmem>>) target_semaphore(%run_scoped3A : memref<!tpu.dma_semaphore, #tpu.memory_space<semaphore_mem>>)
      tpu.wait_dma2 semaphore(%run_scoped3A : memref<!tpu.dma_semaphore, #tpu.memory_space<semaphore_mem>>) src(%arg6 : memref<128x64xf32, #tpu.memory_space<hbm>>) dst(%arg10 : memref<128x64xf32, #tpu.memory_space<vmem>>)
      tpu.yield
    }) : () -> ()
    %scan3A = arith.constant 0 : i32
    %scan3A_1 = arith.constant 0 : i32
    %scan3A_2 = arith.constant 5 : i32
    %scan3A_3 = arith.addi %scan3A_1, %scan3A_2 : i32
    %scan3A_4 = arith.constant 1 : i32
    %scan3A_5 = scf.for %scan3A_22 = %scan3A_1 to %scan3A_3 step %scan3A_4 iter_args(%scan3A_23 = %scan3A) -> (i32)  : i32 {
      %mul3A_24 = arith.constant 640 : i32
      %mul3A_25 = arith.muli %arg1, %mul3A_24 : i32
      %mul3A_26 = arith.constant 128 : i32
      %mul3A_27 = arith.muli %scan3A_22, %mul3A_26 : i32
      %add3A_28 = arith.addi %mul3A_25, %mul3A_27 : i32
      "tpu.region"() ({
        %run_scoped3A = tpu.sem_alloc : memref<!tpu.dma_semaphore, #tpu.memory_space<semaphore_mem>>
        %dma_start3A = arith.constant 0 : i32
        %dma_start3A_30 = tpu.memref_slice %arg12[%add3A_28, %dma_start3A] : memref<10240x64xf32, #tpu.memory_space<vmem_shared>> -> memref<128x64xf32, #tpu.memory_space<vmem_shared>>
        %dma_start3A_31 = arith.constant 0 : i32
        %dma_start3A_32 = tpu.memref_slice %arg12[%add3A_28, %dma_start3A_31] : memref<10240x64xf32, #tpu.memory_space<vmem_shared>> -> memref<128x64xf32, #tpu.memory_space<vmem_shared>>
        tpu.enqueue_dma source(%arg10 : memref<128x64xf32, #tpu.memory_space<vmem>>) target(%dma_start3A_32 : memref<128x64xf32, #tpu.memory_space<vmem_shared>>) target_semaphore(%run_scoped3A : memref<!tpu.dma_semaphore, #tpu.memory_space<semaphore_mem>>)
        %dma_wait3A = arith.constant 0 : i32
        %dma_wait3A_33 = tpu.memref_slice %arg12[%add3A_28, %dma_wait3A] : memref<10240x64xf32, #tpu.memory_space<vmem_shared>> -> memref<128x64xf32, #tpu.memory_space<vmem_shared>>
        %dma_wait3A_34 = arith.constant 0 : i32
        %dma_wait3A_35 = tpu.memref_slice %arg12[%add3A_28, %dma_wait3A_34] : memref<10240x64xf32, #tpu.memory_space<vmem_shared>> -> memref<128x64xf32, #tpu.memory_space<vmem_shared>>
        tpu.wait_dma2 semaphore(%run_scoped3A : memref<!tpu.dma_semaphore, #tpu.memory_space<semaphore_mem>>) src(%arg10 : memref<128x64xf32, #tpu.memory_space<vmem>>) dst(%dma_wait3A_35 : memref<128x64xf32, #tpu.memory_space<vmem_shared>>)
        tpu.yield
      }) : () -> ()
      "tpu.region"() ({
        %run_scoped3A = tpu.sem_alloc : memref<!tpu.dma_semaphore, #tpu.memory_space<semaphore_mem>>
        %dma_start3A = arith.constant 0 : i32
        %dma_start3A_30 = tpu.memref_slice %arg13[%add3A_28, %dma_start3A] : memref<10240x64xf32, #tpu.memory_space<vmem_shared>> -> memref<128x64xf32, #tpu.memory_space<vmem_shared>>
        %dma_start3A_31 = arith.constant 0 : i32
        %dma_start3A_32 = tpu.memref_slice %arg13[%add3A_28, %dma_start3A_31] : memref<10240x64xf32, #tpu.memory_space<vmem_shared>> -> memref<128x64xf32, #tpu.memory_space<vmem_shared>>
        tpu.enqueue_dma source(%arg10 : memref<128x64xf32, #tpu.memory_space<vmem>>) target(%dma_start3A_32 : memref<128x64xf32, #tpu.memory_space<vmem_shared>>) target_semaphore(%run_scoped3A : memref<!tpu.dma_semaphore, #tpu.memory_space<semaphore_mem>>)
        %dma_wait3A = arith.constant 0 : i32
        %dma_wait3A_33 = tpu.memref_slice %arg13[%add3A_28, %dma_wait3A] : memref<10240x64xf32, #tpu.memory_space<vmem_shared>> -> memref<128x64xf32, #tpu.memory_space<vmem_shared>>
        %dma_wait3A_34 = arith.constant 0 : i32
        %dma_wait3A_35 = tpu.memref_slice %arg13[%add3A_28, %dma_wait3A_34] : memref<10240x64xf32, #tpu.memory_space<vmem_shared>> -> memref<128x64xf32, #tpu.memory_space<vmem_shared>>
        tpu.wait_dma2 semaphore(%run_scoped3A : memref<!tpu.dma_semaphore, #tpu.memory_space<semaphore_mem>>) src(%arg10 : memref<128x64xf32, #tpu.memory_space<vmem>>) dst(%dma_wait3A_35 : memref<128x64xf32, #tpu.memory_space<vmem_shared>>)
        tpu.yield
      }) : () -> ()
      %scan3A_29 = arith.constant 0 : i32
      scf.yield %scan3A_29 : i32
    }
    %scan3A_6 = arith.constant 5 : i32
    %barrier3A = arith.constant 0 : index
    tpu.barrier barrier_id(%barrier3A)
    %scan3A_7 = arith.constant 0 : i32
    %scan3A_8 = arith.constant 0 : i32
    %scan3A_9 = arith.constant 79 : i32
    %scan3A_10 = arith.addi %scan3A_8, %scan3A_9 : i32
    %scan3A_11 = arith.constant 1 : i32
    %scan3A_12 = scf.for %scan3A_22 = %scan3A_8 to %scan3A_10 step %scan3A_11 iter_args(%scan3A_23 = %scan3A_7) -> (i32)  : i32 {
      %mul3A_24 = arith.constant 10112 : i32
      %mul3A_25 = arith.muli %add3A, %mul3A_24 : i32
      %mul3A_26 = arith.constant 128 : i32
      %mul3A_27 = arith.muli %scan3A_22, %mul3A_26 : i32
      %add3A_28 = arith.addi %mul3A_25, %mul3A_27 : i32
      "tpu.region"() ({
        %run_scoped3A = tpu.sem_alloc : memref<!tpu.dma_semaphore, #tpu.memory_space<semaphore_mem>>
        %dma_start3A = tpu.memref_slice %arg2[%add3A_28] : memref<323584xi32, #tpu.memory_space<hbm>> -> memref<128xi32, #tpu.memory_space<hbm>>
        %dma_start3A_30 = tpu.memref_slice %arg2[%add3A_28] : memref<323584xi32, #tpu.memory_space<hbm>> -> memref<128xi32, #tpu.memory_space<hbm>>
        tpu.enqueue_dma source(%dma_start3A_30 : memref<128xi32, #tpu.memory_space<hbm>>) target(%arg8 : memref<128xi32, #tpu.memory_space<vmem>>) target_semaphore(%run_scoped3A : memref<!tpu.dma_semaphore, #tpu.memory_space<semaphore_mem>>)
        %dma_wait3A = tpu.memref_slice %arg2[%add3A_28] : memref<323584xi32, #tpu.memory_space<hbm>> -> memref<128xi32, #tpu.memory_space<hbm>>
        %dma_wait3A_31 = tpu.memref_slice %arg2[%add3A_28] : memref<323584xi32, #tpu.memory_space<hbm>> -> memref<128xi32, #tpu.memory_space<hbm>>
        tpu.wait_dma2 semaphore(%run_scoped3A : memref<!tpu.dma_semaphore, #tpu.memory_space<semaphore_mem>>) src(%dma_wait3A_31 : memref<128xi32, #tpu.memory_space<hbm>>) dst(%arg8 : memref<128xi32, #tpu.memory_space<vmem>>)
        tpu.yield
      }) : () -> ()
      "tpu.region"() ({
        %run_scoped3A = tpu.sem_alloc : memref<!tpu.dma_semaphore, #tpu.memory_space<semaphore_mem>>
        %dma_start3A = tpu.memref_slice %arg3[%add3A_28] : memref<323584xi32, #tpu.memory_space<hbm>> -> memref<128xi32, #tpu.memory_space<hbm>>
        %dma_start3A_30 = tpu.memref_slice %arg3[%add3A_28] : memref<323584xi32, #tpu.memory_space<hbm>> -> memref<128xi32, #tpu.memory_space<hbm>>
        tpu.enqueue_dma source(%dma_start3A_30 : memref<128xi32, #tpu.memory_space<hbm>>) target(%arg9 : memref<128xi32, #tpu.memory_space<vmem>>) target_semaphore(%run_scoped3A : memref<!tpu.dma_semaphore, #tpu.memory_space<semaphore_mem>>)
        %dma_wait3A = tpu.memref_slice %arg3[%add3A_28] : memref<323584xi32, #tpu.memory_space<hbm>> -> memref<128xi32, #tpu.memory_space<hbm>>
        %dma_wait3A_31 = tpu.memref_slice %arg3[%add3A_28] : memref<323584xi32, #tpu.memory_space<hbm>> -> memref<128xi32, #tpu.memory_space<hbm>>
        tpu.wait_dma2 semaphore(%run_scoped3A : memref<!tpu.dma_semaphore, #tpu.memory_space<semaphore_mem>>) src(%dma_wait3A_31 : memref<128xi32, #tpu.memory_space<hbm>>) dst(%arg9 : memref<128xi32, #tpu.memory_space<vmem>>)
        tpu.yield
      }) : () -> ()
      "tpu.region"() ({
        %run_scoped3A = tpu.sem_alloc : memref<!tpu.dma_semaphore, #tpu.memory_space<semaphore_mem>>
        %dma_start3A = arith.constant 0 : i32
        %dma_start3A_30 = arith.constant 0 : i32
        %dma_start3A_31 = tpu.memref_slice %arg4[%dma_start3A, %dma_start3A_30] : memref<10240x64xf32, #tpu.memory_space<hbm>> -> memref<10240x64xf32, #tpu.memory_space<hbm>>
        tpu.enqueue_indirect_dma source(%dma_start3A_31 : memref<10240x64xf32, #tpu.memory_space<hbm>>) target(%arg10 : memref<128x64xf32, #tpu.memory_space<vmem>>) offsets(%arg8 : memref<128xi32, #tpu.memory_space<vmem>>) semaphore(%run_scoped3A : memref<!tpu.dma_semaphore, #tpu.memory_space<semaphore_mem>>)
        %dma_wait3A = arith.constant 0 : i32
        %dma_wait3A_32 = arith.constant 0 : i32
        %dma_wait3A_33 = tpu.memref_slice %arg4[%dma_wait3A, %dma_wait3A_32] : memref<10240x64xf32, #tpu.memory_space<hbm>> -> memref<10240x64xf32, #tpu.memory_space<hbm>>
        tpu.wait_indirect_dma semaphore(%run_scoped3A : memref<!tpu.dma_semaphore, #tpu.memory_space<semaphore_mem>>) src(%dma_wait3A_33 : memref<10240x64xf32, #tpu.memory_space<hbm>>) dst(%arg10 : memref<128x64xf32, #tpu.memory_space<vmem>>)
        tpu.yield
      }) : () -> ()
      "tpu.region"() ({
        %run_scoped3A = tpu.sem_alloc : memref<!tpu.dma_semaphore, #tpu.memory_space<semaphore_mem>>
        %dma_start3A = arith.constant 0 : i32
        %dma_start3A_30 = arith.constant 0 : i32
        %dma_start3A_31 = tpu.memref_slice %arg12[%dma_start3A, %dma_start3A_30] : memref<10240x64xf32, #tpu.memory_space<vmem_shared>> -> memref<10240x64xf32, #tpu.memory_space<vmem_shared>>
        tpu.enqueue_indirect_dma source(%arg10 : memref<128x64xf32, #tpu.memory_space<vmem>>) target(%dma_start3A_31 : memref<10240x64xf32, #tpu.memory_space<vmem_shared>>) offsets(%arg9 : memref<128xi32, #tpu.memory_space<vmem>>) semaphore(%run_scoped3A : memref<!tpu.dma_semaphore, #tpu.memory_space<semaphore_mem>>) {add = true}
        %dma_wait3A = arith.constant 0 : i32
        %dma_wait3A_32 = arith.constant 0 : i32
        %dma_wait3A_33 = tpu.memref_slice %arg12[%dma_wait3A, %dma_wait3A_32] : memref<10240x64xf32, #tpu.memory_space<vmem_shared>> -> memref<10240x64xf32, #tpu.memory_space<vmem_shared>>
        tpu.wait_indirect_dma semaphore(%run_scoped3A : memref<!tpu.dma_semaphore, #tpu.memory_space<semaphore_mem>>) src(%arg10 : memref<128x64xf32, #tpu.memory_space<vmem>>) dst(%dma_wait3A_33 : memref<10240x64xf32, #tpu.memory_space<vmem_shared>>)
        tpu.yield
      }) : () -> ()
      "tpu.region"() ({
        %run_scoped3A = tpu.sem_alloc : memref<!tpu.dma_semaphore, #tpu.memory_space<semaphore_mem>>
        %dma_start3A = arith.constant 0 : i32
        %dma_start3A_30 = arith.constant 0 : i32
        %dma_start3A_31 = tpu.memref_slice %arg5[%dma_start3A, %dma_start3A_30] : memref<10240x64xf32, #tpu.memory_space<hbm>> -> memref<10240x64xf32, #tpu.memory_space<hbm>>
        tpu.enqueue_indirect_dma source(%dma_start3A_31 : memref<10240x64xf32, #tpu.memory_space<hbm>>) target(%arg11 : memref<128x64xf32, #tpu.memory_space<vmem>>) offsets(%arg9 : memref<128xi32, #tpu.memory_space<vmem>>) semaphore(%run_scoped3A : memref<!tpu.dma_semaphore, #tpu.memory_space<semaphore_mem>>)
        %dma_wait3A = arith.constant 0 : i32
        %dma_wait3A_32 = arith.constant 0 : i32
        %dma_wait3A_33 = tpu.memref_slice %arg5[%dma_wait3A, %dma_wait3A_32] : memref<10240x64xf32, #tpu.memory_space<hbm>> -> memref<10240x64xf32, #tpu.memory_space<hbm>>
        tpu.wait_indirect_dma semaphore(%run_scoped3A : memref<!tpu.dma_semaphore, #tpu.memory_space<semaphore_mem>>) src(%dma_wait3A_33 : memref<10240x64xf32, #tpu.memory_space<hbm>>) dst(%arg11 : memref<128x64xf32, #tpu.memory_space<vmem>>)
        tpu.yield
      }) : () -> ()
      "tpu.region"() ({
        %run_scoped3A = tpu.sem_alloc : memref<!tpu.dma_semaphore, #tpu.memory_space<semaphore_mem>>
        %dma_start3A = arith.constant 0 : i32
        %dma_start3A_30 = arith.constant 0 : i32
        %dma_start3A_31 = tpu.memref_slice %arg13[%dma_start3A, %dma_start3A_30] : memref<10240x64xf32, #tpu.memory_space<vmem_shared>> -> memref<10240x64xf32, #tpu.memory_space<vmem_shared>>
        tpu.enqueue_indirect_dma source(%arg11 : memref<128x64xf32, #tpu.memory_space<vmem>>) target(%dma_start3A_31 : memref<10240x64xf32, #tpu.memory_space<vmem_shared>>) offsets(%arg8 : memref<128xi32, #tpu.memory_space<vmem>>) semaphore(%run_scoped3A : memref<!tpu.dma_semaphore, #tpu.memory_space<semaphore_mem>>) {add = true}
        %dma_wait3A = arith.constant 0 : i32
        %dma_wait3A_32 = arith.constant 0 : i32
        %dma_wait3A_33 = tpu.memref_slice %arg13[%dma_wait3A, %dma_wait3A_32] : memref<10240x64xf32, #tpu.memory_space<vmem_shared>> -> memref<10240x64xf32, #tpu.memory_space<vmem_shared>>
        tpu.wait_indirect_dma semaphore(%run_scoped3A : memref<!tpu.dma_semaphore, #tpu.memory_space<semaphore_mem>>) src(%arg11 : memref<128x64xf32, #tpu.memory_space<vmem>>) dst(%dma_wait3A_33 : memref<10240x64xf32, #tpu.memory_space<vmem_shared>>)
        tpu.yield
      }) : () -> ()
      %scan3A_29 = arith.constant 0 : i32
      scf.yield %scan3A_29 : i32
    }
    %scan3A_13 = arith.constant 79 : i32
    %barrier3A_14 = arith.constant 0 : index
    tpu.barrier barrier_id(%barrier3A_14)
    %scan3A_15 = arith.constant 0 : i32
    %scan3A_16 = arith.constant 0 : i32
    %scan3A_17 = arith.constant 5 : i32
    %scan3A_18 = arith.addi %scan3A_16, %scan3A_17 : i32
    %scan3A_19 = arith.constant 1 : i32
    %scan3A_20 = scf.for %scan3A_22 = %scan3A_16 to %scan3A_18 step %scan3A_19 iter_args(%scan3A_23 = %scan3A_15) -> (i32)  : i32 {
      %mul3A_24 = arith.constant 640 : i32
      %mul3A_25 = arith.muli %arg1, %mul3A_24 : i32
      %mul3A_26 = arith.constant 128 : i32
      %mul3A_27 = arith.muli %scan3A_22, %mul3A_26 : i32
      %add3A_28 = arith.addi %mul3A_25, %mul3A_27 : i32
      "tpu.region"() ({
        %run_scoped3A_31 = tpu.sem_alloc : memref<!tpu.dma_semaphore, #tpu.memory_space<semaphore_mem>>
        %dma_start3A = arith.constant 0 : i32
        %dma_start3A_32 = tpu.memref_slice %arg12[%add3A_28, %dma_start3A] : memref<10240x64xf32, #tpu.memory_space<vmem_shared>> -> memref<128x64xf32, #tpu.memory_space<vmem_shared>>
        %dma_start3A_33 = arith.constant 0 : i32
        %dma_start3A_34 = tpu.memref_slice %arg12[%add3A_28, %dma_start3A_33] : memref<10240x64xf32, #tpu.memory_space<vmem_shared>> -> memref<128x64xf32, #tpu.memory_space<vmem_shared>>
        tpu.enqueue_dma source(%dma_start3A_34 : memref<128x64xf32, #tpu.memory_space<vmem_shared>>) target(%arg10 : memref<128x64xf32, #tpu.memory_space<vmem>>) target_semaphore(%run_scoped3A_31 : memref<!tpu.dma_semaphore, #tpu.memory_space<semaphore_mem>>)
        %dma_wait3A = arith.constant 0 : i32
        %dma_wait3A_35 = tpu.memref_slice %arg12[%add3A_28, %dma_wait3A] : memref<10240x64xf32, #tpu.memory_space<vmem_shared>> -> memref<128x64xf32, #tpu.memory_space<vmem_shared>>
        %dma_wait3A_36 = arith.constant 0 : i32
        %dma_wait3A_37 = tpu.memref_slice %arg12[%add3A_28, %dma_wait3A_36] : memref<10240x64xf32, #tpu.memory_space<vmem_shared>> -> memref<128x64xf32, #tpu.memory_space<vmem_shared>>
        tpu.wait_dma2 semaphore(%run_scoped3A_31 : memref<!tpu.dma_semaphore, #tpu.memory_space<semaphore_mem>>) src(%dma_wait3A_37 : memref<128x64xf32, #tpu.memory_space<vmem_shared>>) dst(%arg10 : memref<128x64xf32, #tpu.memory_space<vmem>>)
        tpu.yield
      }) : () -> ()
      %run_scoped3A = arith.constant 0 : i32
      "tpu.region"() ({
        %run_scoped3A_31 = tpu.sem_alloc : memref<!tpu.dma_semaphore, #tpu.memory_space<semaphore_mem>>
        %dma_start3A = arith.constant 0 : i32
        %dma_start3A_32 = tpu.memref_slice %arg7[%arg0, %run_scoped3A, %add3A_28, %dma_start3A] : memref<2x2x10240x64xf32, #tpu.memory_space<hbm>> -> memref<1x1x128x64xf32, #tpu.memory_space<hbm>>
        %dma_start3A_33 = tpu.memref_squeeze %dma_start3A_32 : memref<1x1x128x64xf32, #tpu.memory_space<hbm>> -> memref<128x64xf32, #tpu.memory_space<hbm>>
        %dma_start3A_34 = arith.constant 0 : i32
        %dma_start3A_35 = tpu.memref_slice %arg7[%arg0, %run_scoped3A, %add3A_28, %dma_start3A_34] : memref<2x2x10240x64xf32, #tpu.memory_space<hbm>> -> memref<1x1x128x64xf32, #tpu.memory_space<hbm>>
        %dma_start3A_36 = tpu.memref_squeeze %dma_start3A_35 : memref<1x1x128x64xf32, #tpu.memory_space<hbm>> -> memref<128x64xf32, #tpu.memory_space<hbm>>
        tpu.enqueue_dma source(%arg10 : memref<128x64xf32, #tpu.memory_space<vmem>>) target(%dma_start3A_36 : memref<128x64xf32, #tpu.memory_space<hbm>>) target_semaphore(%run_scoped3A_31 : memref<!tpu.dma_semaphore, #tpu.memory_space<semaphore_mem>>)
        %dma_wait3A = arith.constant 0 : i32
        %dma_wait3A_37 = tpu.memref_slice %arg7[%arg0, %run_scoped3A, %add3A_28, %dma_wait3A] : memref<2x2x10240x64xf32, #tpu.memory_space<hbm>> -> memref<1x1x128x64xf32, #tpu.memory_space<hbm>>
        %dma_wait3A_38 = tpu.memref_squeeze %dma_wait3A_37 : memref<1x1x128x64xf32, #tpu.memory_space<hbm>> -> memref<128x64xf32, #tpu.memory_space<hbm>>
        %dma_wait3A_39 = arith.constant 0 : i32
        %dma_wait3A_40 = tpu.memref_slice %arg7[%arg0, %run_scoped3A, %add3A_28, %dma_wait3A_39] : memref<2x2x10240x64xf32, #tpu.memory_space<hbm>> -> memref<1x1x128x64xf32, #tpu.memory_space<hbm>>
        %dma_wait3A_41 = tpu.memref_squeeze %dma_wait3A_40 : memref<1x1x128x64xf32, #tpu.memory_space<hbm>> -> memref<128x64xf32, #tpu.memory_space<hbm>>
        tpu.wait_dma2 semaphore(%run_scoped3A_31 : memref<!tpu.dma_semaphore, #tpu.memory_space<semaphore_mem>>) src(%arg10 : memref<128x64xf32, #tpu.memory_space<vmem>>) dst(%dma_wait3A_41 : memref<128x64xf32, #tpu.memory_space<hbm>>)
        tpu.yield
      }) : () -> ()
      "tpu.region"() ({
        %run_scoped3A_31 = tpu.sem_alloc : memref<!tpu.dma_semaphore, #tpu.memory_space<semaphore_mem>>
        %dma_start3A = arith.constant 0 : i32
        %dma_start3A_32 = tpu.memref_slice %arg13[%add3A_28, %dma_start3A] : memref<10240x64xf32, #tpu.memory_space<vmem_shared>> -> memref<128x64xf32, #tpu.memory_space<vmem_shared>>
        %dma_start3A_33 = arith.constant 0 : i32
        %dma_start3A_34 = tpu.memref_slice %arg13[%add3A_28, %dma_start3A_33] : memref<10240x64xf32, #tpu.memory_space<vmem_shared>> -> memref<128x64xf32, #tpu.memory_space<vmem_shared>>
        tpu.enqueue_dma source(%dma_start3A_34 : memref<128x64xf32, #tpu.memory_space<vmem_shared>>) target(%arg11 : memref<128x64xf32, #tpu.memory_space<vmem>>) target_semaphore(%run_scoped3A_31 : memref<!tpu.dma_semaphore, #tpu.memory_space<semaphore_mem>>)
        %dma_wait3A = arith.constant 0 : i32
        %dma_wait3A_35 = tpu.memref_slice %arg13[%add3A_28, %dma_wait3A] : memref<10240x64xf32, #tpu.memory_space<vmem_shared>> -> memref<128x64xf32, #tpu.memory_space<vmem_shared>>
        %dma_wait3A_36 = arith.constant 0 : i32
        %dma_wait3A_37 = tpu.memref_slice %arg13[%add3A_28, %dma_wait3A_36] : memref<10240x64xf32, #tpu.memory_space<vmem_shared>> -> memref<128x64xf32, #tpu.memory_space<vmem_shared>>
        tpu.wait_dma2 semaphore(%run_scoped3A_31 : memref<!tpu.dma_semaphore, #tpu.memory_space<semaphore_mem>>) src(%dma_wait3A_37 : memref<128x64xf32, #tpu.memory_space<vmem_shared>>) dst(%arg11 : memref<128x64xf32, #tpu.memory_space<vmem>>)
        tpu.yield
      }) : () -> ()
      %run_scoped3A_29 = arith.constant 1 : i32
      "tpu.region"() ({
        %run_scoped3A_31 = tpu.sem_alloc : memref<!tpu.dma_semaphore, #tpu.memory_space<semaphore_mem>>
        %dma_start3A = arith.constant 0 : i32
        %dma_start3A_32 = tpu.memref_slice %arg7[%arg0, %run_scoped3A_29, %add3A_28, %dma_start3A] : memref<2x2x10240x64xf32, #tpu.memory_space<hbm>> -> memref<1x1x128x64xf32, #tpu.memory_space<hbm>>
        %dma_start3A_33 = tpu.memref_squeeze %dma_start3A_32 : memref<1x1x128x64xf32, #tpu.memory_space<hbm>> -> memref<128x64xf32, #tpu.memory_space<hbm>>
        %dma_start3A_34 = arith.constant 0 : i32
        %dma_start3A_35 = tpu.memref_slice %arg7[%arg0, %run_scoped3A_29, %add3A_28, %dma_start3A_34] : memref<2x2x10240x64xf32, #tpu.memory_space<hbm>> -> memref<1x1x128x64xf32, #tpu.memory_space<hbm>>
        %dma_start3A_36 = tpu.memref_squeeze %dma_start3A_35 : memref<1x1x128x64xf32, #tpu.memory_space<hbm>> -> memref<128x64xf32, #tpu.memory_space<hbm>>
        tpu.enqueue_dma source(%arg11 : memref<128x64xf32, #tpu.memory_space<vmem>>) target(%dma_start3A_36 : memref<128x64xf32, #tpu.memory_space<hbm>>) target_semaphore(%run_scoped3A_31 : memref<!tpu.dma_semaphore, #tpu.memory_space<semaphore_mem>>)
        %dma_wait3A = arith.constant 0 : i32
        %dma_wait3A_37 = tpu.memref_slice %arg7[%arg0, %run_scoped3A_29, %add3A_28, %dma_wait3A] : memref<2x2x10240x64xf32, #tpu.memory_space<hbm>> -> memref<1x1x128x64xf32, #tpu.memory_space<hbm>>
        %dma_wait3A_38 = tpu.memref_squeeze %dma_wait3A_37 : memref<1x1x128x64xf32, #tpu.memory_space<hbm>> -> memref<128x64xf32, #tpu.memory_space<hbm>>
        %dma_wait3A_39 = arith.constant 0 : i32
        %dma_wait3A_40 = tpu.memref_slice %arg7[%arg0, %run_scoped3A_29, %add3A_28, %dma_wait3A_39] : memref<2x2x10240x64xf32, #tpu.memory_space<hbm>> -> memref<1x1x128x64xf32, #tpu.memory_space<hbm>>
        %dma_wait3A_41 = tpu.memref_squeeze %dma_wait3A_40 : memref<1x1x128x64xf32, #tpu.memory_space<hbm>> -> memref<128x64xf32, #tpu.memory_space<hbm>>
        tpu.wait_dma2 semaphore(%run_scoped3A_31 : memref<!tpu.dma_semaphore, #tpu.memory_space<semaphore_mem>>) src(%arg11 : memref<128x64xf32, #tpu.memory_space<vmem>>) dst(%dma_wait3A_41 : memref<128x64xf32, #tpu.memory_space<hbm>>)
        tpu.yield
      }) : () -> ()
      %scan3A_30 = arith.constant 0 : i32
      scf.yield %scan3A_30 : i32
    }
    %scan3A_21 = arith.constant 5 : i32
    return
  }
}

module attributes {stable_mosaic.version = 14 : i64} {
  func.func @_prep_body(%arg0: i32, %arg1: memref<512x128xf32, #tpu.memory_space<vmem>>, %arg2: memref<4x512xf32, #tpu.memory_space<vmem>>, %arg3: memref<128x64xf32, #tpu.memory_space<vmem>>, %arg4: memref<128x64xf32, #tpu.memory_space<vmem>>, %arg5: memref<128x64xf32, #tpu.memory_space<vmem>>, %arg6: memref<512x64xf32, #tpu.memory_space<vmem>>, %arg7: memref<512x64xf32, #tpu.memory_space<vmem>>, %arg8: memref<512x64xf32, #tpu.memory_space<vmem>>) attributes {dimension_semantics = [#tpu.dimension_semantics<arbitrary>], iteration_bounds = array<i64: 20>, scalar_prefetch = 0 : i64, scratch_operands = 0 : i64, tpu.core_type = #tpu.core_type<tc>, window_params = [{transform_indices = @transform_0, window_bounds = array<i64: 512, 128>}, {transform_indices = @transform_1, window_bounds = array<i64: 4, 512>}, {pipeline_mode = #tpu.pipeline_mode<synchronous>, transform_indices = @transform_2, window_bounds = array<i64: 128, 64>}, {pipeline_mode = #tpu.pipeline_mode<synchronous>, transform_indices = @transform_3, window_bounds = array<i64: 128, 64>}, {pipeline_mode = #tpu.pipeline_mode<synchronous>, transform_indices = @transform_4, window_bounds = array<i64: 128, 64>}, {transform_indices = @transform_5, window_bounds = array<i64: 512, 64>}, {transform_indices = @transform_6, window_bounds = array<i64: 512, 64>}, {transform_indices = @transform_7, window_bounds = array<i64: 512, 64>}]} {
    %get3A = arith.constant 0 : index
    %get3A_0 = arith.constant 0 : index
    %get3A_1 = vector.load %arg2[%get3A, %get3A_0] : memref<4x512xf32, #tpu.memory_space<vmem>>, vector<4x512xf32>
    %get3A_2 = arith.constant 0 : index
    %get3A_3 = arith.constant 0 : index
    %get3A_4 = vector.load %arg1[%get3A_2, %get3A_3] : memref<512x128xf32, #tpu.memory_space<vmem>>, vector<512x128xf32>
    %slice3A = vector.extract_strided_slice %get3A_1 {offsets = [0, 0], sizes = [1, 512], strides = [1, 1]} : vector<4x512xf32> to vector<1x512xf32>
    %squeeze3A = vector.shape_cast %slice3A : vector<1x512xf32> to vector<512xf32>
    %slice3A_5 = vector.extract_strided_slice %get3A_1 {offsets = [2, 0], sizes = [1, 512], strides = [1, 1]} : vector<4x512xf32> to vector<1x512xf32>
    %squeeze3A_6 = vector.shape_cast %slice3A_5 : vector<1x512xf32> to vector<512xf32>
    %add3A = arith.addf %squeeze3A, %squeeze3A_6 : vector<512xf32>
    %div3A = arith.constant 1.000000e+00 : f32
    %div3A_7 = vector.broadcast %div3A : f32 to vector<512xf32>
    %div3A_8 = arith.divf %div3A_7, %add3A : vector<512xf32>
    %broadcast_in_dim3A = vector.shape_cast %div3A_8 : vector<512xf32> to vector<512x1xf32>
    %slice3A_9 = vector.extract_strided_slice %get3A_1 {offsets = [1, 0], sizes = [1, 512], strides = [1, 1]} : vector<4x512xf32> to vector<1x512xf32>
    %squeeze3A_10 = vector.shape_cast %slice3A_9 : vector<1x512xf32> to vector<512xf32>
    %slice3A_11 = vector.extract_strided_slice %get3A_1 {offsets = [3, 0], sizes = [1, 512], strides = [1, 1]} : vector<4x512xf32> to vector<1x512xf32>
    %squeeze3A_12 = vector.shape_cast %slice3A_11 : vector<1x512xf32> to vector<512xf32>
    %add3A_13 = arith.addf %squeeze3A_10, %squeeze3A_12 : vector<512xf32>
    %div3A_14 = arith.constant 1.000000e+00 : f32
    %div3A_15 = vector.broadcast %div3A_14 : f32 to vector<512xf32>
    %div3A_16 = arith.divf %div3A_15, %add3A_13 : vector<512xf32>
    %broadcast_in_dim3A_17 = vector.shape_cast %div3A_16 : vector<512xf32> to vector<512x1xf32>
    %mul3A = vector.broadcast %broadcast_in_dim3A : vector<512x1xf32> to vector<512x128xf32>
    %mul3A_18 = arith.mulf %get3A_4, %mul3A : vector<512x128xf32>
    %get3A_19 = arith.constant 0 : index
    %get3A_20 = arith.constant 0 : index
    %get3A_21 = vector.load %arg3[%get3A_19, %get3A_20] : memref<128x64xf32, #tpu.memory_space<vmem>>, vector<128x64xf32>
    %dot_general3A = arith.constant dense<0.000000e+00> : vector<512x64xf32>
    %dot_general3A_22 = tpu.matmul %mul3A_18, %get3A_21, %dot_general3A {dimension_numbers = #tpu.dot_dimension_numbers<[1], [0], [0], [1], [0, 0, 1, 1], [], []>, transpose_lhs_hint = false} : vector<512x128xf32>, vector<128x64xf32>, vector<512x64xf32> -> vector<512x64xf32>
    %swap3A = arith.constant 0 : index
    %swap3A_23 = arith.constant 0 : index
    %swap3A_24 = vector.load %arg6[%swap3A, %swap3A_23] : memref<512x64xf32, #tpu.memory_space<vmem>>, vector<512x64xf32>
    tpu.vector_store %arg6[%swap3A, %swap3A_23], %dot_general3A_22 {strides = array<i32>} : memref<512x64xf32, #tpu.memory_space<vmem>>, vector<512x64xf32>,
    %mul3A_25 = vector.broadcast %broadcast_in_dim3A_17 : vector<512x1xf32> to vector<512x128xf32>
    %mul3A_26 = arith.mulf %get3A_4, %mul3A_25 : vector<512x128xf32>
    %get3A_27 = arith.constant 0 : index
    %get3A_28 = arith.constant 0 : index
    %get3A_29 = vector.load %arg4[%get3A_27, %get3A_28] : memref<128x64xf32, #tpu.memory_space<vmem>>, vector<128x64xf32>
    %dot_general3A_30 = arith.constant dense<0.000000e+00> : vector<512x64xf32>
    %dot_general3A_31 = tpu.matmul %mul3A_26, %get3A_29, %dot_general3A_30 {dimension_numbers = #tpu.dot_dimension_numbers<[1], [0], [0], [1], [0, 0, 1, 1], [], []>, transpose_lhs_hint = false} : vector<512x128xf32>, vector<128x64xf32>, vector<512x64xf32> -> vector<512x64xf32>
    %swap3A_32 = arith.constant 0 : index
    %swap3A_33 = arith.constant 0 : index
    %swap3A_34 = vector.load %arg7[%swap3A_32, %swap3A_33] : memref<512x64xf32, #tpu.memory_space<vmem>>, vector<512x64xf32>
    tpu.vector_store %arg7[%swap3A_32, %swap3A_33], %dot_general3A_31 {strides = array<i32>} : memref<512x64xf32, #tpu.memory_space<vmem>>, vector<512x64xf32>,
    %get3A_35 = arith.constant 0 : index
    %get3A_36 = arith.constant 0 : index
    %get3A_37 = vector.load %arg5[%get3A_35, %get3A_36] : memref<128x64xf32, #tpu.memory_space<vmem>>, vector<128x64xf32>
    %dot_general3A_38 = arith.constant dense<0.000000e+00> : vector<512x64xf32>
    %dot_general3A_39 = tpu.matmul %get3A_4, %get3A_37, %dot_general3A_38 {dimension_numbers = #tpu.dot_dimension_numbers<[1], [0], [0], [1], [0, 0, 1, 1], [], []>, transpose_lhs_hint = false} : vector<512x128xf32>, vector<128x64xf32>, vector<512x64xf32> -> vector<512x64xf32>
    %swap3A_40 = arith.constant 0 : index
    %swap3A_41 = arith.constant 0 : index
    %swap3A_42 = vector.load %arg8[%swap3A_40, %swap3A_41] : memref<512x64xf32, #tpu.memory_space<vmem>>, vector<512x64xf32>
    tpu.vector_store %arg8[%swap3A_40, %swap3A_41], %dot_general3A_39 {strides = array<i32>} : memref<512x64xf32, #tpu.memory_space<vmem>>, vector<512x64xf32>,
    return
  }
  func.func @transform_0(%arg0: i32) -> (i32, i32) {
    %c0_i32 = arith.constant 0 : i32
    %c0_i32_0 = arith.constant 0 : i32
    return %arg0, %c0_i32 : i32, i32
  }
  func.func @transform_1(%arg0: i32) -> (i32, i32) {
    %c0_i32 = arith.constant 0 : i32
    %c0_i32_0 = arith.constant 0 : i32
    return %c0_i32, %arg0 : i32, i32
  }
  func.func @transform_2(%arg0: i32) -> (i32, i32) {
    %c0_i32 = arith.constant 0 : i32
    %c0_i32_0 = arith.constant 0 : i32
    %c0_i32_1 = arith.constant 0 : i32
    return %c0_i32, %c0_i32_0 : i32, i32
  }
  func.func @transform_3(%arg0: i32) -> (i32, i32) {
    %c0_i32 = arith.constant 0 : i32
    %c0_i32_0 = arith.constant 0 : i32
    %c0_i32_1 = arith.constant 0 : i32
    return %c0_i32, %c0_i32_0 : i32, i32
  }
  func.func @transform_4(%arg0: i32) -> (i32, i32) {
    %c0_i32 = arith.constant 0 : i32
    %c0_i32_0 = arith.constant 0 : i32
    %c0_i32_1 = arith.constant 0 : i32
    return %c0_i32, %c0_i32_0 : i32, i32
  }
  func.func @transform_5(%arg0: i32) -> (i32, i32) {
    %c0_i32 = arith.constant 0 : i32
    %c0_i32_0 = arith.constant 0 : i32
    return %arg0, %c0_i32 : i32, i32
  }
  func.func @transform_6(%arg0: i32) -> (i32, i32) {
    %c0_i32 = arith.constant 0 : i32
    %c0_i32_0 = arith.constant 0 : i32
    return %arg0, %c0_i32 : i32, i32
  }
  func.func @transform_7(%arg0: i32) -> (i32, i32) {
    %c0_i32 = arith.constant 0 : i32
    %c0_i32_0 = arith.constant 0 : i32
    return %arg0, %c0_i32 : i32, i32
  }
}

module attributes {stable_mosaic.version = 14 : i64} {
  func.func @_combine_body(%arg0: i32, %arg1: memref<4x512x64xf32, #tpu.memory_space<vmem>>, %arg2: memref<512x64xf32, #tpu.memory_space<vmem>>, %arg3: memref<1x64xf32, #tpu.memory_space<vmem>>, %arg4: memref<1x32xf32, #tpu.memory_space<vmem>>, %arg5: memref<1x1xf32, #tpu.memory_space<vmem>>, %arg6: memref<512x1xf32, #tpu.memory_space<vmem>>) attributes {dimension_semantics = [#tpu.dimension_semantics<arbitrary>], iteration_bounds = array<i64: 20>, scalar_prefetch = 0 : i64, scratch_operands = 0 : i64, tpu.core_type = #tpu.core_type<tc>, window_params = [{transform_indices = @transform_0, window_bounds = array<i64: 4, 512, 64>}, {transform_indices = @transform_1, window_bounds = array<i64: 512, 64>}, {pipeline_mode = #tpu.pipeline_mode<synchronous>, transform_indices = @transform_2, window_bounds = array<i64: 1, 64>}, {pipeline_mode = #tpu.pipeline_mode<synchronous>, transform_indices = @transform_3, window_bounds = array<i64: 1, 32>}, {pipeline_mode = #tpu.pipeline_mode<synchronous>, transform_indices = @transform_4, window_bounds = array<i64: 1, 1>}, {transform_indices = @transform_5, window_bounds = array<i64: 512, 1>}]} {
    %get3A = arith.constant 0 : index
    %get3A_0 = arith.constant 0 : index
    %get3A_1 = arith.constant 0 : index
    %get3A_2 = vector.load %arg1[%get3A, %get3A_0, %get3A_1] : memref<4x512x64xf32, #tpu.memory_space<vmem>>, vector<4x512x64xf32>
    %get3A_3 = arith.constant 0 : index
    %get3A_4 = arith.constant 0 : index
    %get3A_5 = vector.load %arg2[%get3A_3, %get3A_4] : memref<512x64xf32, #tpu.memory_space<vmem>>, vector<512x64xf32>
    %slice3A = vector.extract_strided_slice %get3A_2 {offsets = [0, 0, 0], sizes = [1, 512, 64], strides = [1, 1, 1]} : vector<4x512x64xf32> to vector<1x512x64xf32>
    %squeeze3A = vector.shape_cast %slice3A : vector<1x512x64xf32> to vector<512x64xf32>
    %add3A = arith.addf %get3A_5, %squeeze3A : vector<512x64xf32>
    %slice3A_6 = vector.extract_strided_slice %get3A_2 {offsets = [1, 0, 0], sizes = [1, 512, 64], strides = [1, 1, 1]} : vector<4x512x64xf32> to vector<1x512x64xf32>
    %squeeze3A_7 = vector.shape_cast %slice3A_6 : vector<1x512x64xf32> to vector<512x64xf32>
    %add3A_8 = arith.addf %add3A, %squeeze3A_7 : vector<512x64xf32>
    %slice3A_9 = vector.extract_strided_slice %get3A_2 {offsets = [2, 0, 0], sizes = [1, 512, 64], strides = [1, 1, 1]} : vector<4x512x64xf32> to vector<1x512x64xf32>
    %squeeze3A_10 = vector.shape_cast %slice3A_9 : vector<1x512x64xf32> to vector<512x64xf32>
    %add3A_11 = arith.addf %add3A_8, %squeeze3A_10 : vector<512x64xf32>
    %slice3A_12 = vector.extract_strided_slice %get3A_2 {offsets = [3, 0, 0], sizes = [1, 512, 64], strides = [1, 1, 1]} : vector<4x512x64xf32> to vector<1x512x64xf32>
    %squeeze3A_13 = vector.shape_cast %slice3A_12 : vector<1x512x64xf32> to vector<512x64xf32>
    %add3A_14 = arith.addf %add3A_11, %squeeze3A_13 : vector<512x64xf32>
    %get3A_15 = arith.constant 0 : index
    %get3A_16 = arith.constant 0 : index
    %get3A_17 = vector.load %arg3[%get3A_15, %get3A_16] : memref<1x64xf32, #tpu.memory_space<vmem>>, vector<1x64xf32>
    %add3A_18 = vector.broadcast %get3A_17 : vector<1x64xf32> to vector<512x64xf32>
    %add3A_19 = arith.addf %add3A_14, %add3A_18 : vector<512x64xf32>
    %slice3A_20 = vector.extract_strided_slice %add3A_19 {offsets = [0, 0], sizes = [512, 32], strides = [1, 1]} : vector<512x64xf32> to vector<512x32xf32>
    %logistic3A = arith.negf %slice3A_20 : vector<512x32xf32>
    %logistic3A_21 = math.exp %logistic3A : vector<512x32xf32>
    %logistic3A_22 = arith.constant 1.000000e+00 : f32
    %logistic3A_23 = vector.broadcast %logistic3A_22 : f32 to vector<512x32xf32>
    %logistic3A_24 = arith.addf %logistic3A_23, %logistic3A_21 : vector<512x32xf32>
    %logistic3A_25 = arith.divf %logistic3A_23, %logistic3A_24 : vector<512x32xf32>
    %slice3A_26 = vector.extract_strided_slice %add3A_19 {offsets = [0, 32], sizes = [512, 32], strides = [1, 1]} : vector<512x64xf32> to vector<512x32xf32>
    %tanh3A = math.tanh %slice3A_26 : vector<512x32xf32>
    %sub3A = arith.constant 1.000000e+00 : f32
    %sub3A_27 = vector.broadcast %sub3A : f32 to vector<512x32xf32>
    %sub3A_28 = arith.subf %sub3A_27, %logistic3A_25 : vector<512x32xf32>
    %mul3A = arith.mulf %sub3A_28, %tanh3A : vector<512x32xf32>
    %max3A = arith.constant 0.000000e+00 : f32
    %max3A_29 = vector.broadcast %max3A : f32 to vector<512x32xf32>
    %max3A_30 = arith.maximumf %mul3A, %max3A_29 : vector<512x32xf32>
    %get3A_31 = arith.constant 0 : index
    %get3A_32 = arith.constant 0 : index
    %get3A_33 = vector.load %arg4[%get3A_31, %get3A_32] : memref<1x32xf32, #tpu.memory_space<vmem>>, vector<1x32xf32>
    %mul3A_34 = vector.broadcast %get3A_33 : vector<1x32xf32> to vector<512x32xf32>
    %mul3A_35 = arith.mulf %max3A_30, %mul3A_34 : vector<512x32xf32>
    %reduce_sum3A = arith.constant dense<0.000000e+00> : vector<512xf32>
    %reduce_sum3A_36 = vector.multi_reduction <add>, %mul3A_35, %reduce_sum3A [1] : vector<512x32xf32> to vector<512xf32>
    %broadcast_in_dim3A = vector.shape_cast %reduce_sum3A_36 : vector<512xf32> to vector<512x1xf32>
    %get3A_37 = arith.constant 0 : index
    %get3A_38 = arith.constant 0 : index
    %get3A_39 = vector.load %arg5[%get3A_37, %get3A_38] : memref<1x1xf32, #tpu.memory_space<vmem>>, vector<1x1xf32>
    %add3A_40 = vector.broadcast %get3A_39 : vector<1x1xf32> to vector<512x1xf32>
    %add3A_41 = arith.addf %broadcast_in_dim3A, %add3A_40 : vector<512x1xf32>
    %swap3A = arith.constant 0 : index
    %swap3A_42 = arith.constant 0 : index
    %swap3A_43 = vector.load %arg6[%swap3A, %swap3A_42] : memref<512x1xf32, #tpu.memory_space<vmem>>, vector<512x1xf32>
    tpu.vector_store %arg6[%swap3A, %swap3A_42], %add3A_41 {strides = array<i32>} : memref<512x1xf32, #tpu.memory_space<vmem>>, vector<512x1xf32>,
    return
  }
  func.func @transform_0(%arg0: i32) -> (i32, i32, i32) {
    %c0_i32 = arith.constant 0 : i32
    %c0_i32_0 = arith.constant 0 : i32
    %c0_i32_1 = arith.constant 0 : i32
    return %c0_i32, %arg0, %c0_i32_0 : i32, i32, i32
  }
  func.func @transform_1(%arg0: i32) -> (i32, i32) {
    %c0_i32 = arith.constant 0 : i32
    %c0_i32_0 = arith.constant 0 : i32
    return %arg0, %c0_i32 : i32, i32
  }
  func.func @transform_2(%arg0: i32) -> (i32, i32) {
    %c0_i32 = arith.constant 0 : i32
    %c0_i32_0 = arith.constant 0 : i32
    %c0_i32_1 = arith.constant 0 : i32
    return %c0_i32, %c0_i32_0 : i32, i32
  }
  func.func @transform_3(%arg0: i32) -> (i32, i32) {
    %c0_i32 = arith.constant 0 : i32
    %c0_i32_0 = arith.constant 0 : i32
    %c0_i32_1 = arith.constant 0 : i32
    return %c0_i32, %c0_i32_0 : i32, i32
  }
  func.func @transform_4(%arg0: i32) -> (i32, i32) {
    %c0_i32 = arith.constant 0 : i32
    %c0_i32_0 = arith.constant 0 : i32
    %c0_i32_1 = arith.constant 0 : i32
    return %c0_i32, %c0_i32_0 : i32, i32
  }
  func.func @transform_5(%arg0: i32) -> (i32, i32) {
    %c0_i32 = arith.constant 0 : i32
    %c0_i32_0 = arith.constant 0 : i32
    return %arg0, %c0_i32 : i32, i32
  }
}

</mosaic_0001>

<sc_bundles>
// kernel: kernel.6.cloned.1.call-start
scs
__scs_entry_jumppad:
0x0: {  	(pc) =	sbr.rel $0x88, $3  }
0x1: {  	(tag) =	ssettag $0x0;
	lr =	simm.s32 $0x1  }
0x2: {  	[smem:$0x3F98] =	sst lr;
	_ =	strace $0xD0000000  }
0x3: {  	_ = 	snop  }
0x4: {  	_ = 	snop  }
0x5: {  	_ = 	snop  }
0x6: {  	_ = 	snop  }
0x7: {  	_ = 	snop  }
__scs_overlays_trampoline_lowered:
0x8: {  	[smem:$0x3FA7] =	sst s0  }
0x9: {  	[smem:$0x3FA8] =	sst s1  }
0xa: {  	[smem:$0x3FA9] =	sst s2  }
0xb: {  	[smem:$0x3FAA] =	sst s3  }
0xc: {  	[smem:$0x3FAB] =	sst s4  }
0xd: {  	[smem:$0x3FAC] =	sst s5  }
0xe: {  	[smem:$0x3FAD] =	sst s6  }
0xf: {  	[smem:$0x3FAE] =	sst s7  }
0x10: {  	[smem:$0x3FAF] =	sst s8  }
0x11: {  	[smem:$0x3FB0] =	sst s9;
	s0 =	simm.s32 @!p0 $0x0  }
0x12: {  	s1 =	sld [smem:$0x3F96];
	s0 =	simm.s32 @p0 $0x1  }
0x13: {  	[smem:$0x3FB1] =	sst s0;
	s0 =	simm.s32 @!p1 $0x0  }
0x14: {  	s2 =	sld [smem:$0x3F95];
	s0 =	simm.s32 @p1 $0x1  }
0x15: {  	[smem:$0x3FB2] =	sst s0;
	s0 =	simm.s32 @!p2 $0x0  }
0x16: {  	s3 =	sld [smem:$0x3FDB];
	s0 =	simm.s32 @p2 $0x1  }
0x17: {  	s4 =	simm.s32 $0x1BF5;
	[smem:$0x3FB4] =	sst s0  }
0x18: {  	s0 =	sld [smem:$0x3F97];
	_ =	swait.ge [sflag:s4], $0x0  }
0x19: {  	s7 =	sld [smem:$0x3F98]  }
0x1a: {  	s8 =	sadd.s32 $0xFFFFE003, lr  }
0x1b: {  	s9 =	sadd.s32 $0xFFFFFEF7, lr;
	s5 =	simm.s32 $0xFFFFFFFF;
	p2 =	slt.u32 s8, $0xFFFFF086  }
0x1c: {  	p1 =	slt.u32 s9, $0xF7A;
	s5 =	simm.s32 @!p2 $0x0  }
0x1d: {  	s5 =	simm.s32 @p1 $0x1;
	p0 =	seq.s32 s7, s2  }
0x1e: {  	s7 =	smul.u32 @!p0 $0xF7A, s2;
	p2 =	seq.s32 @!p0 s5, $0x0  }
0x1f: {  	s9 =	smul.u32 $0xF7A, s1;
	s8 =	simm.s32 @!p0 $0x1BF5;
	p2 =	por !p2, p0  }
0x20: {  	[sflag:s8] =	ssyncset.s32 @!p0 $0xFFFFF086;
	s6 =	sadd.s32 @!p0 s3, s7;
	s7 =	simm.s32 @!p0 $0x108  }
0x21: {  	s3 =	sadd.s32 s3, s9;
	s6 =	sadd.s32 @!p0 $0x88, s6;
	s7 =	simm.s32 @p2 $0x1082  }
0x22: {  	[simem:s7], [sflag:s8] =	dma.local @!p0 [hbm:s6], $0xF7A  }
0x23: {  	s9 =	sor.u32 $0xD0000000, s2;
	s6 =	simm.s32 $0x108;
	_ =	swait.ge @!p0 [sflag:s8], $0x0  }
0x24: {  	s3 =	sadd.s32 $0x88, s3;
	s6 =	simm.s32 @!p1 $0x1082;
	[sflag:s4] =	ssyncset.s32 $0xFFFFF086  }
0x25: {  	[simem:s6], [sflag:s4] =	dma.local [hbm:s3], $0xF7A  }
0x26: {  	[smem:$0x3F98] =	sst s1;
	(tag) =	ssettag s2;
	_ =	strace s9  }
0x27: {  	s1 =	sld [smem:$0x3FA8]  }
0x28: {  	s2 =	sld [smem:$0x3FA9]  }
0x29: {  	s4 =	sld [smem:$0x3FAB]  }
0x2a: {  	p0 =	seq.s32 s5, $0x0;
	s5 =	sld [smem:$0x3FAC]  }
0x2b: {  	s6 =	sld [smem:$0x3FAD]  }
0x2c: {  	s7 =	sld [smem:$0x3FAE]  }
0x2d: {  	s3 =	simm.s32 $0x108;
	s8 =	sld [smem:$0x3FAF]  }
0x2e: {  	s3 =	simm.s32 @!p0 $0x1082;
	s9 =	sld [smem:$0x3FB0]  }
0x2f: {  	lr =	sadd.s32 s0, s3;
	s0 =	sld [smem:$0x3FA7]  }
0x30: {  	s3 =	sld [smem:$0x3FAA]  }
0x31: {  	[smem:$0x3FB3] =	sst s10  }
0x32: {  	s10 =	sld [smem:$0x3FB1];
	_ =	sdelay $0x3  }
0x33: {  	p0 =	seq.s32 s10, $0x1;
	s10 =	sld [smem:$0x3FB3];
	_ =	sdelay $0x3  }
0x34: {  	[smem:$0x3FB3] =	sst s10  }
0x35: {  	s10 =	sld [smem:$0x3FB2];
	_ =	sdelay $0x3  }
0x36: {  	p1 =	seq.s32 s10, $0x1;
	s10 =	sld [smem:$0x3FB3];
	_ =	sdelay $0x3  }
0x37: {  	[smem:$0x3FB3] =	sst s10  }
0x38: {  	s10 =	sld [smem:$0x3FB4]  }
0x39: {  	_ = 	snop;
	(pc) =	sbr.ind lr, $3  }
0x3a: {  	_ = 	snop  }
0x3b: {  	_ = 	snop  }
0x3c: {  	p2 =	seq.s32 s10, $0x1;
	s10 =	sld [smem:$0x3FB3]  }
0x3d: {  	_ =	shalt  }
0x3e: {  	_ =	shalt  }
0x3f: {  	_ =	shalt  }
0x40: {  	_ =	shalt  }
0x41: {  	_ =	shalt  }
0x42: {  	_ =	shalt  }
0x43: {  	_ =	shalt  }
0x44: {  	_ =	shalt  }
0x45: {  	_ =	shalt  }
0x46: {  	_ =	shalt  }
0x47: {  	_ =	shalt  }
0x48: {  	_ =	shalt  }
0x49: {  	_ =	shalt  }
0x4a: {  	_ =	shalt  }
0x4b: {  	_ =	shalt  }
0x4c: {  	_ =	shalt  }
0x4d: {  	_ =	shalt  }
0x4e: {  	_ =	shalt  }
0x4f: {  	_ =	shalt  }
0x50: {  	_ =	shalt  }
0x51: {  	_ =	shalt  }
0x52: {  	_ =	shalt  }
0x53: {  	_ =	shalt  }
0x54: {  	_ =	shalt  }
0x55: {  	_ =	shalt  }
0x56: {  	_ =	shalt  }
0x57: {  	_ =	shalt  }
0x58: {  	_ =	shalt  }
0x59: {  	_ =	shalt  }
0x5a: {  	_ =	shalt  }
0x5b: {  	_ =	shalt  }
0x5c: {  	_ =	shalt  }
0x5d: {  	_ =	shalt  }
0x5e: {  	_ =	shalt  }
0x5f: {  	_ =	shalt  }
0x60: {  	_ =	shalt  }
0x61: {  	_ =	shalt  }
0x62: {  	_ =	shalt  }
0x63: {  	_ =	shalt  }
0x64: {  	_ =	shalt  }
0x65: {  	_ =	shalt  }
0x66: {  	_ =	shalt  }
0x67: {  	_ =	shalt  }
0x68: {  	_ =	shalt  }
0x69: {  	_ =	shalt  }
0x6a: {  	_ =	shalt  }
0x6b: {  	_ =	shalt  }
0x6c: {  	_ =	shalt  }
0x6d: {  	_ =	shalt  }
0x6e: {  	_ =	shalt  }
0x6f: {  	_ =	shalt  }
0x70: {  	_ =	shalt  }
0x71: {  	_ =	shalt  }
0x72: {  	_ =	shalt  }
0x73: {  	_ =	shalt  }
0x74: {  	_ =	shalt  }
0x75: {  	_ =	shalt  }
0x76: {  	_ =	shalt  }
0x77: {  	_ =	shalt  }
0x78: {  	_ =	shalt  }
0x79: {  	_ =	shalt  }
0x7a: {  	_ =	shalt  }
0x7b: {  	_ =	shalt  }
0x7c: {  	_ =	shalt  }
0x7d: {  	_ =	shalt  }
0x7e: {  	_ =	shalt  }
0x7f: {  	_ =	shalt  }
0x80: {  	_ =	shalt  }
0x81: {  	_ =	shalt  }
0x82: {  	_ =	shalt  }
0x83: {  	_ =	shalt  }
0x84: {  	_ =	shalt  }
0x85: {  	_ =	shalt  }
0x86: {  	_ =	shalt  }
0x87: {  	_ =	shalt  }
.Lfunc_end0:
.L_simem_size_0:
called_computation_lowered:
.L_overlay_start_0:
0x88: {  	s2 =	sld [smem:$0x3FD9]  }
0x89: {  	s3 =	sld [smem:$0x3FFE];
	_ =	sdelay $0x1  }
0x8a: {  	s1 =	srdreg.scid  }
0x8b: {  	s0 =	sand.u32 $0x1, s1  }
0x8c: {  	s16 =	sshll.u32 s0, $0xA;
	s2 =	sadd.s32 s3, s2  }
0x8d: {  	s2 =	sadd.s32 s2, s16  }
0x8e: {  	[smem:$0x3FBF] =	sst s2  }
0x8f: {  	_ = 	snop  }
0x90: {  	(tm) =	ssettm $0x1  }
0x91: {  	s17 =	sld [smem:$0x3FFB];
	_ =	sdelay $0x3  }
0x92: {  	_ =	strace s17  }
0x93: {  	s2 =	sld [smem:$0x3FFC];
	_ =	sdelay $0x3  }
0x94: {  	_ =	strace s2  }
0x95: {  	s2 =	sld [smem:$0x3FFD];
	_ =	sdelay $0x3  }
0x96: {  	_ =	strace s2  }
0x97: {  	_ =	strace $0x8FFFFFFF  }
0x98: {  	s18 =	sld [smem:$0x3FDB];
	_ =	sdelay $0x1  }
0x99: {  	s19 =	simm.s32 $_scs_section_size  }
0x9a: {  	s4 =	simm.s32 $_size__tile_overlayer_lowered;
	s5 =	simm.s32 $_tile_overlayer_lowered  }
0x9b: {  	s22 =	simm.s32 $0x1BFF;
	s21 =	sshll.u32 s5, $0x1;
	s2 =	sadd.s32 s19, s18  }
0x9c: {  	s6 =	simm.s32 $0x0;
	s20 =	sshll.u32 s4, $0x1;
	s4 =	sadd.s32 s21, s2  }
0x9d: {  	[timem:s6], [sflag:s22] =	dma.local [hbm:s4], s20  }
0x9e: {  	_ =	swait.ge [sflag:s22], s20  }
0x9f: {  	s3 =	ssub.s32 $0x0, s20;
	[sflag:s22] =	ssyncset.done $0x0  }
0xa0: {  	[sflag:s22] =	ssyncadd.s32 s3;
	_ =	sdelay $0x1  }
0xa1: {  	s23 =	simm.s32 $0x1B8B  }
0xa2: {  	_ =	swait.ge [sflag:s23], $0x1  }
0xa3: {  	[sflag:s23] =	ssyncset.done $0x0  }
0xa4: {  	s25 =	simm.s32 $0x1B8E;
	s24 =	sld [smem:$0x3FFE];
	[sflag:s23] =	ssyncadd.s32 $0xFFFFFFFF  }
0xa5: {  	s26 =	simm.s32 $execute0_lowered;
	[smem:$0x3FD2] =	sst s25  }
0xa6: {  	s4 =	sshll.u32 s26, $0x1;
	_ =	strace $0x80000046;
	[dreg:$0x1] =	wrdreg $0xFFFFFFFF  }
0xa7: {  	s28 =	simm.s32 $_size_execute0_lowered;
	s2 =	sadd.s32 s2, s4;
	[dreg:$0x0] =	wrdreg $0x0  }
0xa8: {  	s4 =	sshll.u32 s28, $0x1;
	[dreg:$0x2] =	wrdreg s2  }
0xa9: {  	[dreg:$0x3] =	wrdreg s4  }
0xaa: {  	[dreg:$0x4] =	wrdreg $0xC0  }
0xab: {  	_ =	task [dreg:s6], $0x5FFFF  }
0xac: {  	[dreg:$0x1] =	wrdreg $0xFFFFFFFF  }
0xad: {  	[dreg:$0x0] =	wrdreg $0x60  }
0xae: {  	[dreg:$0x2] =	wrdreg s24  }
0xaf: {  	[dreg:$0x3] =	wrdreg $0x3800  }
0xb0: {  	[dreg:$0x4] =	wrdreg $0x6000  }
0xb1: {  	[dreg:$0x5] =	wrdreg $0x9  }
0xb2: {  	_ =	task.clear_ibuf [dreg:s6], $0x6FFFF;
	_ =	strace $0x90000046  }
0xb3: {  	s29 =	simm.s32 $0x9;
	_ =	strace $0x80000048  }
0xb4: {  	_ =	swait.ge [sflag:s29], $0x1  }
0xb5: {  	[sflag:s29] =	ssyncadd.s32 $0xFFFFFFFF  }
0xb6: {  	_ =	strace $0x90000048  }
0xb7: {  	_ =	sfence  }
0xb8: {  	s30 =	sld [smem:$0x0];
	_ =	sdelay $0x2  }
0xb9: {  	s31 =	sshll.u32 s1, $0xD;
	s1 =	sshrl.u32 s1, $0x2  }
0xba: {  	s3 =	sand.u32 $0x4000, s31;
	s1 =	sadd.s32 s1, s30  }
0xbb: {  	s0 =	sor.u32 s3, s0;
	s1 =	sshll.u32 s1, $0x11  }
0xbc: {  	s0 =	sor.u32 s1, s0  }
0xbd: {  	s0 =	sadd.s32 $0x8F2B, s0  }
0xbe: {  	[sflag:s0] =	ssyncadd.remote.s32 $0x1  }
0xbf: {  	_ =	sfence.sel $0xFFFF  }
0xc0: {  	[dreg:$0x0] =	wrdreg $0xFFFFFFFF;
	(pc) =	sbr.abs _section_cstart, $3  }
0xc1: {  	[dreg:$0x1] =	wrdreg $0xFFFFFFFF  }
0xc2: {  	_ =	task.clear_ibuf [dreg:s6], $0x2FFFF;
	_ =	strace $0x9FFFFFFF  }
0xc3: {  	(tm) =	ssettm $0x7FFFFFFF  }
tec
execute0_lowered:
.L_overlay_start_1:
0x0: {  	(tag) =	ssettag $0x1  }
0x1: {  	s5 =	rddreg [dreg:$0x0]  }
0x2: {  	s1 =	srdreg.scid;
	s2 =	rddreg [dreg:$0x1]  }
0x3: {  	s0 =	stileid.u32;
	s3 =	rddreg [dreg:$0x2]  }
0x4: {  	s4 =	simm.s32 $0x0;
	s13 =	simm.s32 $0x100;
	s7 =	smul.u32 $0x4F00, s0  }
0x5: {  	s14 =	simm.s32 $0x1;
	s6 =	sand.u32 $0x1, s1;
	s9 =	smul.u32 $0x280, s0  }
0x6: {  	s15 =	simm.s32 $0x80;
	s16 =	simm.s32 $0x0;
	s8 =	smul.u32 $0x2780, s6  }
0x7: {  	[smem:$0x7FF] =	sst s4;
	s10 =	smul.u32 $0x5000, s6;
	s6 =	ssub.s32 $0x2, s6  }
0x8: {  	s1 =	rddreg [dreg:$0x3];
	_ =	strace $0x80000047;
	s31 =	sshrl.u32 s6, $0x1  }
0x9: {  	s7 =	sadd.s32 s8, s7;
	s30 =	sadd.s32 s9, s10;
	s10 =	ssub.s32 s6, s31  }
0xa: {  	s6 =	sadd.s32 s9, s3;
	s7 =	sshrl.u32 s7, $0x3;
	s8 =	sshrl.u32 s30, $0x3  }
0xb: {  	s12 =	sadd.s32 s7, s5;
	s8 =	sadd.s32 s8, s5;
	s5 =	sadd.s32 s9, s2  }
0xc: {  	s9 =	smax.u32 s10, $0x1;
	s7 =	sadd.s32 $0x1FA00, s8;
	s8 =	sadd.s32 $0x1FF00, s8  }
0xd: {  	v0 =	vimm.f32 $0.0e+00;
	s10 =	sadd.s32 $0xBE00, s12;
	s11 =	sadd.s32 $0x15C00, s12;
	s12 =	sadd.s32 $0x2000, s12  }
.LBB2_1:
0xe: {  	[tilespmem:$0x100] =	vst v0  }
0xf: {  	[tilespmem:$0x110] =	vst v0  }
0x10: {  	[tilespmem:$0x120] =	vst v0  }
0x11: {  	[tilespmem:$0x130] =	vst v0  }
0x12: {  	[tilespmem:$0x140] =	vst v0  }
0x13: {  	[tilespmem:$0x150] =	vst v0  }
0x14: {  	[tilespmem:$0x160] =	vst v0  }
0x15: {  	[tilespmem:$0x170] =	vst v0  }
0x16: {  	[tilespmem:$0x180] =	vst v0  }
0x17: {  	[tilespmem:$0x190] =	vst v0  }
0x18: {  	[tilespmem:$0x1A0] =	vst v0  }
0x19: {  	[tilespmem:$0x1B0] =	vst v0  }
0x1a: {  	[tilespmem:$0x1C0] =	vst v0  }
0x1b: {  	[tilespmem:$0x1D0] =	vst v0  }
0x1c: {  	[tilespmem:$0x1E0] =	vst v0  }
0x1d: {  	[tilespmem:$0x1F0] =	vst v0  }
0x1e: {  	[tilespmem:$0x200] =	vst v0  }
0x1f: {  	[tilespmem:$0x210] =	vst v0  }
0x20: {  	[tilespmem:$0x220] =	vst v0  }
0x21: {  	[tilespmem:$0x230] =	vst v0  }
0x22: {  	[tilespmem:$0x240] =	vst v0  }
0x23: {  	[tilespmem:$0x250] =	vst v0  }
0x24: {  	[tilespmem:$0x260] =	vst v0  }
0x25: {  	[tilespmem:$0x270] =	vst v0  }
0x26: {  	[tilespmem:$0x280] =	vst v0  }
0x27: {  	[tilespmem:$0x290] =	vst v0  }
0x28: {  	[tilespmem:$0x2A0] =	vst v0  }
0x29: {  	[tilespmem:$0x2B0] =	vst v0  }
0x2a: {  	[tilespmem:$0x2C0] =	vst v0  }
0x2b: {  	[tilespmem:$0x2D0] =	vst v0  }
0x2c: {  	[tilespmem:$0x2E0] =	vst v0  }
0x2d: {  	[tilespmem:$0x2F0] =	vst v0  }
0x2e: {  	[tilespmem:$0x300] =	vst v0  }
0x2f: {  	[tilespmem:$0x310] =	vst v0  }
0x30: {  	[tilespmem:$0x320] =	vst v0  }
0x31: {  	[tilespmem:$0x330] =	vst v0  }
0x32: {  	[tilespmem:$0x340] =	vst v0  }
0x33: {  	[tilespmem:$0x350] =	vst v0  }
0x34: {  	[tilespmem:$0x360] =	vst v0  }
0x35: {  	[tilespmem:$0x370] =	vst v0  }
0x36: {  	[spmem:s5] =	stream.linear.scatter [tilespmem:s13], [sflag:$0x1], $0x280, $0x38;
	[tilespmem:$0x880] =	vst v63  }
0x37: {  	_ =	swait.ge [sflag:s14], $0x280  }
0x38: {  	[sflag:s14] =	ssyncset.done $0x0  }
0x39: {  	[sflag:s14] =	ssyncadd.s32 $0xFFFFFD80  }
0x3a: {  	[spmem:s6] =	stream.linear.scatter [tilespmem:s13], [sflag:$0x1], $0x280, $0x38;
	[tilespmem:$0x880] =	vst v63  }
0x3b: {  	_ =	swait.ge [sflag:s14], $0x280  }
0x3c: {  	[sflag:s14] =	ssyncset.done $0x0  }
0x3d: {  	[sflag:s14] =	ssyncadd.s32 $0xFFFFFD80  }
0x3e: {  	s17 =	sadd.s32 $0x0, s12;
	[bflag:$0x0] =	sbarrier.arrive $0xFFFF  }
0x3f: {  	[tilespmem:s15], [sflag:$0x1] =	stream.linear.gather [hbm4b:s17+s4], $0x80, $0x38;
	[tilespmem:$0x880] =	vst v63  }
0x40: {  	_ =	swait.ge [sflag:s14], $0x80  }
0x41: {  	[sflag:s14] =	ssyncset.done $0x0  }
0x42: {  	s30 =	sadd.s32 $0x0, s11;
	[sflag:s14] =	ssyncadd.s32 $0xFFFFFF80  }
0x43: {  	[tilespmem:s4], [sflag:$0x1] =	stream.linear.gather [hbm4b:s30+s4], $0x80, $0x38;
	[tilespmem:$0x880] =	vst v63  }
0x44: {  	_ =	swait.ge [sflag:s14], $0x80  }
0x45: {  	[sflag:s14] =	ssyncset.done $0x0  }
0x46: {  	[sflag:s14] =	ssyncadd.s32 $0xFFFFFF80  }
0x47: {  	[spmem:s2] =	stream.indirect.scatter.add.f32 [tilespmem:s15], [sflag:$0x1], $0x1, s4, s15, $0xb8;
	[tilespmem:$0x880] =	vst v63  }
0x48: {  	_ =	swait.ge [sflag:s14], $0x80  }
0x49: {  	[sflag:s14] =	ssyncset.done $0x0  }
0x4a: {  	s31 =	sadd.s32 $0x0, s10;
	[sflag:s14] =	ssyncadd.s32 $0xFFFFFF80  }
0x4b: {  	[tilespmem:s4], [sflag:$0x1] =	stream.linear.gather [hbm4b:s31+s4], $0x80, $0x38;
	[tilespmem:$0x880] =	vst v63  }
0x4c: {  	_ =	swait.ge [sflag:s14], $0x80  }
0x4d: {  	[sflag:s14] =	ssyncset.done $0x0  }
0x4e: {  	[sflag:s14] =	ssyncadd.s32 $0xFFFFFF80  }
0x4f: {  	[spmem:s3] =	stream.indirect.scatter.add.f32 [tilespmem:s15], [sflag:$0x1], $0x1, s4, s15, $0xb8;
	[tilespmem:$0x880] =	vst v63  }
0x50: {  	_ =	swait.ge [sflag:s14], $0x80  }
0x51: {  	s18 =	simm.s32 $0x20;
	s17 =	simm.s32 $0x10;
	[sflag:s14] =	ssyncset.done $0x0  }
.LBB2_2:
0x52: {  	s19 =	sadd.s32 s17, s12  }
0x53: {  	[sflag:s14] =	ssyncadd.s32 $0xFFFFFF80;
	s20 =	smov.u32 s18;
	s21 =	sadd.s32 $0x10, s18  }
0x54: {  	[tilespmem:s15], [sflag:$0x1] =	stream.linear.gather [hbm4b:s19+s4], $0x80, $0x38;
	[tilespmem:$0x880] =	vst v63  }
0x55: {  	p0 =	sne.s32 s18, $0x4E0;
	_ =	swait.ge [sflag:s14], $0x80  }
0x56: {  	[sflag:s14] =	ssyncset.done $0x0  }
0x57: {  	s18 =	sadd.s32 s17, s11;
	[sflag:s14] =	ssyncadd.s32 $0xFFFFFF80  }
0x58: {  	[tilespmem:s4], [sflag:$0x1] =	stream.linear.gather [hbm4b:s18+s4], $0x80, $0x38;
	[tilespmem:$0x880] =	vst v63  }
0x59: {  	_ =	swait.ge [sflag:s14], $0x80  }
0x5a: {  	[sflag:s14] =	ssyncset.done $0x0  }
0x5b: {  	[sflag:s14] =	ssyncadd.s32 $0xFFFFFF80  }
0x5c: {  	[spmem:s2] =	stream.indirect.scatter.add.f32 [tilespmem:s15], [sflag:$0x1], $0x1, s4, s15, $0xb8;
	[tilespmem:$0x880] =	vst v63  }
0x5d: {  	_ =	swait.ge [sflag:s14], $0x80  }
0x5e: {  	[sflag:s14] =	ssyncset.done $0x0  }
0x5f: {  	s18 =	sadd.s32 s17, s10;
	s17 =	smov.u32 s20;
	[sflag:s14] =	ssyncadd.s32 $0xFFFFFF80  }
0x60: {  	[tilespmem:s4], [sflag:$0x1] =	stream.linear.gather [hbm4b:s18+s4], $0x80, $0x38;
	[tilespmem:$0x880] =	vst v63  }
0x61: {  	_ =	swait.ge [sflag:s14], $0x80  }
.Ltmp0:
0x62: {  	[sflag:s14] =	ssyncset.done $0x0;
	(pc) =	sbr.rel @p0 .LBB2_2-.Ltmp0, $4  }
0x63: {  	[sflag:s14] =	ssyncadd.s32 $0xFFFFFF80  }
0x64: {  	[spmem:s3] =	stream.indirect.scatter.add.f32 [tilespmem:s15], [sflag:$0x1], $0x1, s4, s15, $0xb8;
	[tilespmem:$0x880] =	vst v63  }
0x65: {  	_ =	swait.ge [sflag:s14], $0x80  }
0x66: {  	s18 =	smov.u32 s21;
	[sflag:s14] =	ssyncset.done $0x0  }
0x67: {  	s18 =	sadd.s32 s17, s12;
	[sflag:s14] =	ssyncadd.s32 $0xFFFFFF80  }
0x68: {  	[tilespmem:s15], [sflag:$0x1] =	stream.linear.gather [hbm4b:s18+s4], $0x80, $0x38;
	[tilespmem:$0x880] =	vst v63  }
0x69: {  	_ =	swait.ge [sflag:s14], $0x80  }
0x6a: {  	[sflag:s14] =	ssyncset.done $0x0  }
0x6b: {  	s30 =	sadd.s32 s17, s11;
	[sflag:s14] =	ssyncadd.s32 $0xFFFFFF80  }
0x6c: {  	[tilespmem:s4], [sflag:$0x1] =	stream.linear.gather [hbm4b:s30+s4], $0x80, $0x38;
	[tilespmem:$0x880] =	vst v63  }
0x6d: {  	_ =	swait.ge [sflag:s14], $0x80  }
0x6e: {  	[sflag:s14] =	ssyncset.done $0x0  }
0x6f: {  	[sflag:s14] =	ssyncadd.s32 $0xFFFFFF80  }
0x70: {  	[spmem:s2] =	stream.indirect.scatter.add.f32 [tilespmem:s15], [sflag:$0x1], $0x1, s4, s15, $0xb8;
	[tilespmem:$0x880] =	vst v63  }
0x71: {  	_ =	swait.ge [sflag:s14], $0x80  }
0x72: {  	[sflag:s14] =	ssyncset.done $0x0  }
0x73: {  	s31 =	sadd.s32 s17, s10;
	[sflag:s14] =	ssyncadd.s32 $0xFFFFFF80  }
0x74: {  	[tilespmem:s4], [sflag:$0x1] =	stream.linear.gather [hbm4b:s31+s4], $0x80, $0x38;
	[tilespmem:$0x880] =	vst v63  }
0x75: {  	_ =	swait.ge [sflag:s14], $0x80  }
0x76: {  	[sflag:s14] =	ssyncset.done $0x0  }
0x77: {  	[sflag:s14] =	ssyncadd.s32 $0xFFFFFF80  }
0x78: {  	[spmem:s3] =	stream.indirect.scatter.add.f32 [tilespmem:s15], [sflag:$0x1], $0x1, s4, s15, $0xb8;
	[tilespmem:$0x880] =	vst v63  }
0x79: {  	_ =	swait.ge [sflag:s14], $0x80  }
0x7a: {  	[sflag:s14] =	ssyncset.done $0x0  }
0x7b: {  	[sflag:s14] =	ssyncadd.s32 $0xFFFFFF80  }
0x7c: {  	[bflag:$0x0] =	sbarrier.arrive $0xFFFF  }
0x7d: {  	[tilespmem:s13], [sflag:$0x1] =	stream.linear.gather [spmem:s5], $0x280, $0x38;
	[tilespmem:$0x880] =	vst v63  }
0x7e: {  	_ =	swait.ge [sflag:s14], $0x280  }
0x7f: {  	[sflag:s14] =	ssyncset.done $0x0  }
0x80: {  	[sflag:s14] =	ssyncadd.s32 $0xFFFFFD80  }
0x81: {  	[hbm4b:s7+s4] =	stream.linear.scatter [tilespmem:s13], [sflag:$0x1], $0x280, $0x38;
	[tilespmem:$0x880] =	vst v63  }
0x82: {  	_ =	swait.ge [sflag:s14], $0x280  }
0x83: {  	[sflag:s14] =	ssyncset.done $0x0  }
0x84: {  	[sflag:s14] =	ssyncadd.s32 $0xFFFFFD80  }
0x85: {  	[tilespmem:s13], [sflag:$0x1] =	stream.linear.gather [spmem:s6], $0x280, $0x38;
	[tilespmem:$0x880] =	vst v63  }
0x86: {  	s16 =	sadd.s32 $0x1, s16;
	_ =	swait.ge [sflag:s14], $0x280  }
0x87: {  	p0 =	sne.s32 s16, s9;
	[sflag:s14] =	ssyncset.done $0x0  }
.Ltmp1:
0x88: {  	[sflag:s14] =	ssyncadd.s32 $0xFFFFFD80;
	(pc) =	sbr.rel @p0 .LBB2_1-.Ltmp1, $4  }
0x89: {  	[hbm4b:s8+s4] =	stream.linear.scatter [tilespmem:s13], [sflag:$0x1], $0x280, $0x38;
	[tilespmem:$0x880] =	vst v63  }
0x8a: {  	_ =	swait.ge [sflag:s14], $0x280  }
0x8b: {  	[sflag:s14] =	ssyncset.done $0x0  }
0x8c: {  	[sflag:s14] =	ssyncadd.s32 $0xFFFFFD80  }
0x8d: {  	_ =	sfence.sel $0x180000  }
0x8e: {  	[bflag:$0x0] =	sbarrier.arrive $0xFFFF  }
0x8f: {  	p0 =	sne.s32 s0, $0x0;
	_ =	strace $0x90000047  }
0x90: {  	s0 =	sadd.s32 @!p0 $0x100000, s1;
	[bflag:$0x2] =	sbarrier.arrive $0xFFFF  }
0x91: {  	[sflag:s0] =	ssyncadd.tile.s32 @!p0 $0x1;
	_ =	shalt  }
.Lfunc_end2:
_tile_overlayer_lowered:
.L_overlay_start_2:
0x92: {  	(tag) =	ssettag $0x2  }
0x93: {  	s0 =	rddreg [dreg:$0x0];
	s2 =	stileid.u32  }
0x94: {  	s1 =	rddreg [dreg:$0x1];
	p0 =	sne.s32 s2, $0x0  }
0x95: {  	s3 =	rddreg [dreg:$0x2];
	[bflag:$0x3] =	sbarrier.arrive $0xFFFF;
	s2 =	simm.s32 @!p0 $0x1C01  }
0x96: {  	[timem:s3], [sflag:s2] =	dma.local @!p0 [hbm:s0], s1  }
0x97: {  	s0 =	simm.s32 @!p0 $0x1  }
0x98: {  	_ =	swait.ge @!p0 [sflag:s0], s1  }
0x99: {  	s1 =	ssub.s32 @!p0 $0x0, s1;
	[sflag:s0] =	ssyncset.done @!p0 $0x0  }
0x9a: {  	[sflag:s0] =	ssyncadd.s32 @!p0 s1  }
0x9b: {  	[bflag:$0x3] =	sbarrier.arrive $0xFFFF  }
0x9c: {  	_ =	shalt  }

// kernel: kernel.9.cloned.1.call-start
scs
__scs_entry_jumppad:
0x0: {  	(pc) =	sbr.rel $0x88, $3  }
0x1: {  	(tag) =	ssettag $0x0;
	lr =	simm.s32 $0x1  }
0x2: {  	[smem:$0x3F98] =	sst lr;
	_ =	strace $0xD0000000  }
0x3: {  	_ = 	snop  }
0x4: {  	_ = 	snop  }
0x5: {  	_ = 	snop  }
0x6: {  	_ = 	snop  }
0x7: {  	_ = 	snop  }
__scs_overlays_trampoline_lowered:
0x8: {  	[smem:$0x3FA7] =	sst s0  }
0x9: {  	[smem:$0x3FA8] =	sst s1  }
0xa: {  	[smem:$0x3FA9] =	sst s2  }
0xb: {  	[smem:$0x3FAA] =	sst s3  }
0xc: {  	[smem:$0x3FAB] =	sst s4  }
0xd: {  	[smem:$0x3FAC] =	sst s5  }
0xe: {  	[smem:$0x3FAD] =	sst s6  }
0xf: {  	[smem:$0x3FAE] =	sst s7  }
0x10: {  	[smem:$0x3FAF] =	sst s8  }
0x11: {  	[smem:$0x3FB0] =	sst s9;
	s0 =	simm.s32 @!p0 $0x0  }
0x12: {  	s1 =	sld [smem:$0x3F96];
	s0 =	simm.s32 @p0 $0x1  }
0x13: {  	[smem:$0x3FB1] =	sst s0;
	s0 =	simm.s32 @!p1 $0x0  }
0x14: {  	s2 =	sld [smem:$0x3F95];
	s0 =	simm.s32 @p1 $0x1  }
0x15: {  	[smem:$0x3FB2] =	sst s0;
	s0 =	simm.s32 @!p2 $0x0  }
0x16: {  	s3 =	sld [smem:$0x3FDB];
	s0 =	simm.s32 @p2 $0x1  }
0x17: {  	s4 =	simm.s32 $0x1BF5;
	[smem:$0x3FB4] =	sst s0  }
0x18: {  	s0 =	sld [smem:$0x3F97];
	_ =	swait.ge [sflag:s4], $0x0  }
0x19: {  	s7 =	sld [smem:$0x3F98]  }
0x1a: {  	s8 =	sadd.s32 $0xFFFFE003, lr  }
0x1b: {  	s9 =	sadd.s32 $0xFFFFFEF7, lr;
	s5 =	simm.s32 $0xFFFFFFFF;
	p2 =	slt.u32 s8, $0xFFFFF086  }
0x1c: {  	p1 =	slt.u32 s9, $0xF7A;
	s5 =	simm.s32 @!p2 $0x0  }
0x1d: {  	s5 =	simm.s32 @p1 $0x1;
	p0 =	seq.s32 s7, s2  }
0x1e: {  	s7 =	smul.u32 @!p0 $0xF7A, s2;
	p2 =	seq.s32 @!p0 s5, $0x0  }
0x1f: {  	s9 =	smul.u32 $0xF7A, s1;
	s8 =	simm.s32 @!p0 $0x1BF5;
	p2 =	por !p2, p0  }
0x20: {  	[sflag:s8] =	ssyncset.s32 @!p0 $0xFFFFF086;
	s6 =	sadd.s32 @!p0 s3, s7;
	s7 =	simm.s32 @!p0 $0x108  }
0x21: {  	s3 =	sadd.s32 s3, s9;
	s6 =	sadd.s32 @!p0 $0x88, s6;
	s7 =	simm.s32 @p2 $0x1082  }
0x22: {  	[simem:s7], [sflag:s8] =	dma.local @!p0 [hbm:s6], $0xF7A  }
0x23: {  	s9 =	sor.u32 $0xD0000000, s2;
	s6 =	simm.s32 $0x108;
	_ =	swait.ge @!p0 [sflag:s8], $0x0  }
0x24: {  	s3 =	sadd.s32 $0x88, s3;
	s6 =	simm.s32 @!p1 $0x1082;
	[sflag:s4] =	ssyncset.s32 $0xFFFFF086  }
0x25: {  	[simem:s6], [sflag:s4] =	dma.local [hbm:s3], $0xF7A  }
0x26: {  	[smem:$0x3F98] =	sst s1;
	(tag) =	ssettag s2;
	_ =	strace s9  }
0x27: {  	s1 =	sld [smem:$0x3FA8]  }
0x28: {  	s2 =	sld [smem:$0x3FA9]  }
0x29: {  	s4 =	sld [smem:$0x3FAB]  }
0x2a: {  	p0 =	seq.s32 s5, $0x0;
	s5 =	sld [smem:$0x3FAC]  }
0x2b: {  	s6 =	sld [smem:$0x3FAD]  }
0x2c: {  	s7 =	sld [smem:$0x3FAE]  }
0x2d: {  	s3 =	simm.s32 $0x108;
	s8 =	sld [smem:$0x3FAF]  }
0x2e: {  	s3 =	simm.s32 @!p0 $0x1082;
	s9 =	sld [smem:$0x3FB0]  }
0x2f: {  	lr =	sadd.s32 s0, s3;
	s0 =	sld [smem:$0x3FA7]  }
0x30: {  	s3 =	sld [smem:$0x3FAA]  }
0x31: {  	[smem:$0x3FB3] =	sst s10  }
0x32: {  	s10 =	sld [smem:$0x3FB1];
	_ =	sdelay $0x3  }
0x33: {  	p0 =	seq.s32 s10, $0x1;
	s10 =	sld [smem:$0x3FB3];
	_ =	sdelay $0x3  }
0x34: {  	[smem:$0x3FB3] =	sst s10  }
0x35: {  	s10 =	sld [smem:$0x3FB2];
	_ =	sdelay $0x3  }
0x36: {  	p1 =	seq.s32 s10, $0x1;
	s10 =	sld [smem:$0x3FB3];
	_ =	sdelay $0x3  }
0x37: {  	[smem:$0x3FB3] =	sst s10  }
0x38: {  	s10 =	sld [smem:$0x3FB4]  }
0x39: {  	_ = 	snop;
	(pc) =	sbr.ind lr, $3  }
0x3a: {  	_ = 	snop  }
0x3b: {  	_ = 	snop  }
0x3c: {  	p2 =	seq.s32 s10, $0x1;
	s10 =	sld [smem:$0x3FB3]  }
0x3d: {  	_ =	shalt  }
0x3e: {  	_ =	shalt  }
0x3f: {  	_ =	shalt  }
0x40: {  	_ =	shalt  }
0x41: {  	_ =	shalt  }
0x42: {  	_ =	shalt  }
0x43: {  	_ =	shalt  }
0x44: {  	_ =	shalt  }
0x45: {  	_ =	shalt  }
0x46: {  	_ =	shalt  }
0x47: {  	_ =	shalt  }
0x48: {  	_ =	shalt  }
0x49: {  	_ =	shalt  }
0x4a: {  	_ =	shalt  }
0x4b: {  	_ =	shalt  }
0x4c: {  	_ =	shalt  }
0x4d: {  	_ =	shalt  }
0x4e: {  	_ =	shalt  }
0x4f: {  	_ =	shalt  }
0x50: {  	_ =	shalt  }
0x51: {  	_ =	shalt  }
0x52: {  	_ =	shalt  }
0x53: {  	_ =	shalt  }
0x54: {  	_ =	shalt  }
0x55: {  	_ =	shalt  }
0x56: {  	_ =	shalt  }
0x57: {  	_ =	shalt  }
0x58: {  	_ =	shalt  }
0x59: {  	_ =	shalt  }
0x5a: {  	_ =	shalt  }
0x5b: {  	_ =	shalt  }
0x5c: {  	_ =	shalt  }
0x5d: {  	_ =	shalt  }
0x5e: {  	_ =	shalt  }
0x5f: {  	_ =	shalt  }
0x60: {  	_ =	shalt  }
0x61: {  	_ =	shalt  }
0x62: {  	_ =	shalt  }
0x63: {  	_ =	shalt  }
0x64: {  	_ =	shalt  }
0x65: {  	_ =	shalt  }
0x66: {  	_ =	shalt  }
0x67: {  	_ =	shalt  }
0x68: {  	_ =	shalt  }
0x69: {  	_ =	shalt  }
0x6a: {  	_ =	shalt  }
0x6b: {  	_ =	shalt  }
0x6c: {  	_ =	shalt  }
0x6d: {  	_ =	shalt  }
0x6e: {  	_ =	shalt  }
0x6f: {  	_ =	shalt  }
0x70: {  	_ =	shalt  }
0x71: {  	_ =	shalt  }
0x72: {  	_ =	shalt  }
0x73: {  	_ =	shalt  }
0x74: {  	_ =	shalt  }
0x75: {  	_ =	shalt  }
0x76: {  	_ =	shalt  }
0x77: {  	_ =	shalt  }
0x78: {  	_ =	shalt  }
0x79: {  	_ =	shalt  }
0x7a: {  	_ =	shalt  }
0x7b: {  	_ =	shalt  }
0x7c: {  	_ =	shalt  }
0x7d: {  	_ =	shalt  }
0x7e: {  	_ =	shalt  }
0x7f: {  	_ =	shalt  }
0x80: {  	_ =	shalt  }
0x81: {  	_ =	shalt  }
0x82: {  	_ =	shalt  }
0x83: {  	_ =	shalt  }
0x84: {  	_ =	shalt  }
0x85: {  	_ =	shalt  }
0x86: {  	_ =	shalt  }
0x87: {  	_ =	shalt  }
.Lfunc_end0:
.L_simem_size_0:
called_computation.1_lowered:
.L_overlay_start_0:
0x88: {  	s2 =	sld [smem:$0x3FD9]  }
0x89: {  	s3 =	sld [smem:$0x3FFE];
	_ =	sdelay $0x1  }
0x8a: {  	s1 =	srdreg.scid  }
0x8b: {  	s0 =	sand.u32 $0x1, s1  }
0x8c: {  	s17 =	sshll.u32 s0, $0xA;
	s2 =	sadd.s32 s3, s2  }
0x8d: {  	s2 =	sadd.s32 s2, s17  }
0x8e: {  	[smem:$0x3FBF] =	sst s2  }
0x8f: {  	_ = 	snop  }
0x90: {  	s2 =	sld [smem:$0x3FD0];
	(tm) =	ssettm $0x1  }
0x91: {  	s18 =	sld [smem:$0x3FFB];
	_ =	sdelay $0x3  }
0x92: {  	_ =	strace s18  }
0x93: {  	s3 =	sld [smem:$0x3FFC];
	_ =	sdelay $0x3  }
0x94: {  	_ =	strace s3  }
0x95: {  	s3 =	sld [smem:$0x3FFD];
	_ =	sdelay $0x3  }
0x96: {  	_ =	strace s3  }
0x97: {  	_ =	strace $0x8FFFFFFF  }
0x98: {  	s19 =	sld [smem:$0x3FDB];
	_ =	sdelay $0x1  }
0x99: {  	s4 =	simm.s32 $_scs_section_size  }
0x9a: {  	s5 =	simm.s32 $_size__tile_overlayer_lowered;
	s6 =	simm.s32 $_tile_overlayer_lowered  }
0x9b: {  	s22 =	simm.s32 $0x1BFF;
	s21 =	sshll.u32 s6, $0x1;
	s3 =	sadd.s32 s4, s19  }
0x9c: {  	s7 =	simm.s32 $0x0;
	s20 =	sshll.u32 s5, $0x1;
	s5 =	sadd.s32 s21, s3  }
0x9d: {  	[timem:s7], [sflag:s22] =	dma.local [hbm:s5], s20  }
0x9e: {  	_ =	swait.ge [sflag:s22], s20  }
0x9f: {  	s4 =	ssub.s32 $0x0, s20;
	[sflag:s22] =	ssyncset.done $0x0  }
0xa0: {  	[sflag:s22] =	ssyncadd.s32 s4;
	_ =	sdelay $0x1  }
0xa1: {  	s23 =	simm.s32 $0x1B8B  }
0xa2: {  	_ =	swait.ge [sflag:s23], $0x1  }
0xa3: {  	[sflag:s23] =	ssyncset.done $0x0  }
0xa4: {  	s25 =	simm.s32 $0x1B8E;
	s24 =	sld [smem:$0x3FFE];
	[sflag:s23] =	ssyncadd.s32 $0xFFFFFFFF  }
0xa5: {  	s26 =	simm.s32 $execute0_lowered;
	[smem:$0x3FD2] =	sst s25  }
0xa6: {  	s5 =	sshll.u32 s26, $0x1;
	_ =	strace $0x80000049;
	[dreg:$0x1] =	wrdreg $0xFFFFFFFF  }
0xa7: {  	s28 =	simm.s32 $_size_execute0_lowered;
	s3 =	sadd.s32 s3, s5;
	[dreg:$0x0] =	wrdreg $0x0  }
0xa8: {  	s5 =	sshll.u32 s28, $0x1;
	[dreg:$0x2] =	wrdreg s3  }
0xa9: {  	[dreg:$0x3] =	wrdreg s5  }
0xaa: {  	[dreg:$0x4] =	wrdreg $0xC0  }
0xab: {  	_ =	task [dreg:s7], $0x5FFFF  }
0xac: {  	[dreg:$0x1] =	wrdreg $0xFFFFFFFF  }
0xad: {  	[dreg:$0x0] =	wrdreg $0x60  }
0xae: {  	[dreg:$0x2] =	wrdreg s24  }
0xaf: {  	[dreg:$0x3] =	wrdreg s2  }
0xb0: {  	[dreg:$0x4] =	wrdreg $0x41000  }
0xb1: {  	[dreg:$0x5] =	wrdreg $0xE1000  }
0xb2: {  	[dreg:$0x6] =	wrdreg $0x9  }
0xb3: {  	_ =	task.clear_ibuf [dreg:s7], $0x7FFFF;
	_ =	strace $0x90000049  }
0xb4: {  	s29 =	simm.s32 $0x9;
	_ =	strace $0x8000004B  }
0xb5: {  	_ =	swait.ge [sflag:s29], $0x1  }
0xb6: {  	[sflag:s29] =	ssyncadd.s32 $0xFFFFFFFF  }
0xb7: {  	_ =	strace $0x9000004B  }
0xb8: {  	_ =	sfence  }
0xb9: {  	s30 =	sld [smem:$0x0];
	_ =	sdelay $0x2  }
0xba: {  	s31 =	sshll.u32 s1, $0xD;
	s1 =	sshrl.u32 s1, $0x2  }
0xbb: {  	s3 =	sand.u32 $0x4000, s31;
	s1 =	sadd.s32 s1, s30  }
0xbc: {  	s0 =	sor.u32 s3, s0;
	s1 =	sshll.u32 s1, $0x11  }
0xbd: {  	s0 =	sor.u32 s1, s0  }
0xbe: {  	s0 =	sadd.s32 $0x8F2B, s0  }
0xbf: {  	[sflag:s0] =	ssyncadd.remote.s32 $0x1  }
0xc0: {  	_ =	sfence.sel $0xFFFF  }
0xc1: {  	[dreg:$0x0] =	wrdreg $0xFFFFFFFF;
	(pc) =	sbr.abs _section_cstart, $3  }
0xc2: {  	[dreg:$0x1] =	wrdreg $0xFFFFFFFF  }
0xc3: {  	_ =	task.clear_ibuf [dreg:s7], $0x2FFFF;
	_ =	strace $0x9FFFFFFF  }
0xc4: {  	(tm) =	ssettm $0x7FFFFFFF  }
0xc5: {  	_ =	shalt  }
tec
execute0_lowered:
.L_overlay_start_1:
0x0: {  	(tag) =	ssettag $0x1  }
0x1: {  	s0 =	rddreg [dreg:$0x0]  }
0x2: {  	s1 =	srdreg.scid;
	s3 =	rddreg [dreg:$0x2]  }
0x3: {  	s10 =	stileid.u32;
	s4 =	rddreg [dreg:$0x3]  }
0x4: {  	s5 =	simm.s32 $0x0;
	s1 =	sand.u32 $0x1, s1;
	s2 =	smul.u32 $0x4F00, s10  }
0x5: {  	[smem:$0x7FF] =	sst s5;
	s7 =	sadd.s32 $0x1FA00, s0;
	s17 =	smul.u32 $0xA000, s10  }
0x6: {  	s6 =	smul.u32 $0x2780, s1;
	_ =	strace $0x8000004A;
	s8 =	ssub.s32 $0x2, s1  }
0x7: {  	s1 =	smul.u32 $0x140000, s1;
	s9 =	sshrl.u32 s8, $0x1;
	s28 =	sadd.s32 $0x2000, s17  }
0x8: {  	s10 =	sadd.s32 s17, s4;
	s18 =	sadd.s32 $0x4000, s17;
	s19 =	sadd.s32 $0x6000, s17  }
0x9: {  	s20 =	sadd.s32 $0x8000, s17;
	s2 =	sadd.s32 s6, s2;
	s6 =	sadd.s32 $0x33A00, s0  }
0xa: {  	s9 =	ssub.s32 s8, s9;
	s8 =	sadd.s32 s17, s3;
	s11 =	sadd.s32 s28, s3  }
0xb: {  	s12 =	sadd.s32 s28, s4;
	s13 =	sadd.s32 s18, s3;
	s14 =	sadd.s32 s18, s4  }
0xc: {  	s15 =	sadd.s32 s19, s3;
	s16 =	sadd.s32 s19, s4;
	s21 =	sadd.s32 s1, s17  }
0xd: {  	s17 =	sadd.s32 s20, s3;
	s22 =	sadd.s32 s1, s18;
	s19 =	sadd.s32 s1, s19  }
0xe: {  	s18 =	sadd.s32 s20, s4;
	s2 =	sshrl.u32 s2, $0x3;
	s9 =	smax.u32 s9, $0x1  }
0xf: {  	s21 =	sshrl.u32 s21, $0x3;
	s30 =	sshrl.u32 s22, $0x3;
	s19 =	sshrl.u32 s19, $0x3  }
0x10: {  	s2 =	sadd.s32 s2, s0;
	[dreg:$0x5] =	wrdreg s9;
	s9 =	sadd.s32 s1, s28  }
0x11: {  	s0 =	sadd.s32 $0x47A00, s0;
	s1 =	sadd.s32 s1, s20;
	s9 =	sshrl.u32 s9, $0x3  }
0x12: {  	s29 =	sadd.s32 s0, s21;
	s1 =	sshrl.u32 s1, $0x3;
	s21 =	sadd.s32 s0, s30  }
0x13: {  	s22 =	sadd.s32 s0, s19;
	s24 =	sadd.s32 $0xBE00, s2;
	s25 =	sadd.s32 $0x15C00, s2  }
0x14: {  	s2 =	simm.s32 $0x100;
	[dreg:$0x6] =	wrdreg s29;
	s20 =	sadd.s32 $0x14000, s29  }
0x15: {  	s19 =	simm.s32 $0x0;
	s26 =	sadd.s32 s0, s9;
	[dreg:$0x8] =	wrdreg s20  }
0x16: {  	s23 =	sadd.s32 s0, s1;
	s29 =	sadd.s32 $0x14000, s21;
	[dreg:$0x7] =	wrdreg s26  }
0x17: {  	s30 =	sadd.s32 $0x14000, s22;
	s0 =	simm.s32 $0x1;
	[dreg:$0xa] =	wrdreg s29  }
0x18: {  	s1 =	simm.s32 $0x80;
	s28 =	sadd.s32 $0x14000, s26;
	[dreg:$0xb] =	wrdreg s30  }
0x19: {  	s9 =	simm.s32 $0x2100;
	s31 =	sadd.s32 $0x14000, s23;
	[dreg:$0x9] =	wrdreg s28  }
.LBB2_1:
0x1a: {  	s20 =	rddreg [dreg:$0x1]  }
0x1b: {  	[tilespmem:s2], [sflag:$0x1] =	stream.linear.gather [hbm4b:s20+s5], $0x2000, $0x38;
	[tilespmem:$0x18100] =	vst v63  }
0x1c: {  	_ =	swait.ge [sflag:s0], $0x2000  }
0x1d: {  	[sflag:s0] =	ssyncset.done $0x0  }
0x1e: {  	[sflag:s0] =	ssyncadd.s32 $0xFFFFE000  }
0x1f: {  	[spmem:s8] =	stream.linear.scatter [tilespmem:s2], [sflag:$0x1], $0x2000, $0x38;
	[tilespmem:$0x18100] =	vst v63  }
0x20: {  	_ =	swait.ge [sflag:s0], $0x2000  }
0x21: {  	[sflag:s0] =	ssyncset.done $0x0  }
0x22: {  	[sflag:s0] =	ssyncadd.s32 $0xFFFFE000  }
0x23: {  	[spmem:s10] =	stream.linear.scatter [tilespmem:s2], [sflag:$0x1], $0x2000, $0x38;
	[tilespmem:$0x18100] =	vst v63  }
0x24: {  	_ =	swait.ge [sflag:s0], $0x2000  }
0x25: {  	[sflag:s0] =	ssyncset.done $0x0  }
0x26: {  	[sflag:s0] =	ssyncadd.s32 $0xFFFFE000  }
0x27: {  	[spmem:s11] =	stream.linear.scatter [tilespmem:s2], [sflag:$0x1], $0x2000, $0x38;
	[tilespmem:$0x18100] =	vst v63  }
0x28: {  	_ =	swait.ge [sflag:s0], $0x2000  }
0x29: {  	[sflag:s0] =	ssyncset.done $0x0  }
0x2a: {  	[sflag:s0] =	ssyncadd.s32 $0xFFFFE000  }
0x2b: {  	[spmem:s12] =	stream.linear.scatter [tilespmem:s2], [sflag:$0x1], $0x2000, $0x38;
	[tilespmem:$0x18100] =	vst v63  }
0x2c: {  	_ =	swait.ge [sflag:s0], $0x2000  }
0x2d: {  	[sflag:s0] =	ssyncset.done $0x0  }
0x2e: {  	[sflag:s0] =	ssyncadd.s32 $0xFFFFE000  }
0x2f: {  	[spmem:s13] =	stream.linear.scatter [tilespmem:s2], [sflag:$0x1], $0x2000, $0x38;
	[tilespmem:$0x18100] =	vst v63  }
0x30: {  	_ =	swait.ge [sflag:s0], $0x2000  }
0x31: {  	[sflag:s0] =	ssyncset.done $0x0  }
0x32: {  	[sflag:s0] =	ssyncadd.s32 $0xFFFFE000  }
0x33: {  	[spmem:s14] =	stream.linear.scatter [tilespmem:s2], [sflag:$0x1], $0x2000, $0x38;
	[tilespmem:$0x18100] =	vst v63  }
0x34: {  	_ =	swait.ge [sflag:s0], $0x2000  }
0x35: {  	[sflag:s0] =	ssyncset.done $0x0  }
0x36: {  	[sflag:s0] =	ssyncadd.s32 $0xFFFFE000  }
0x37: {  	[spmem:s15] =	stream.linear.scatter [tilespmem:s2], [sflag:$0x1], $0x2000, $0x38;
	[tilespmem:$0x18100] =	vst v63  }
0x38: {  	_ =	swait.ge [sflag:s0], $0x2000  }
0x39: {  	[sflag:s0] =	ssyncset.done $0x0  }
0x3a: {  	[sflag:s0] =	ssyncadd.s32 $0xFFFFE000  }
0x3b: {  	[spmem:s16] =	stream.linear.scatter [tilespmem:s2], [sflag:$0x1], $0x2000, $0x38;
	[tilespmem:$0x18100] =	vst v63  }
0x3c: {  	_ =	swait.ge [sflag:s0], $0x2000  }
0x3d: {  	[sflag:s0] =	ssyncset.done $0x0  }
0x3e: {  	[sflag:s0] =	ssyncadd.s32 $0xFFFFE000  }
0x3f: {  	[spmem:s17] =	stream.linear.scatter [tilespmem:s2], [sflag:$0x1], $0x2000, $0x38;
	[tilespmem:$0x18100] =	vst v63  }
0x40: {  	_ =	swait.ge [sflag:s0], $0x2000  }
0x41: {  	[sflag:s0] =	ssyncset.done $0x0  }
0x42: {  	[sflag:s0] =	ssyncadd.s32 $0xFFFFE000  }
0x43: {  	[spmem:s18] =	stream.linear.scatter [tilespmem:s2], [sflag:$0x1], $0x2000, $0x38;
	[tilespmem:$0x18100] =	vst v63  }
0x44: {  	_ =	swait.ge [sflag:s0], $0x2000  }
0x45: {  	[sflag:s0] =	ssyncset.done $0x0  }
0x46: {  	[sflag:s0] =	ssyncadd.s32 $0xFFFFE000  }
0x47: {  	s29 =	sadd.s32 $0x0, s25;
	[bflag:$0x0] =	sbarrier.arrive $0xFFFF  }
0x48: {  	[tilespmem:s5], [sflag:$0x1] =	stream.linear.gather [hbm4b:s29+s5], $0x80, $0x38;
	[tilespmem:$0x18100] =	vst v63  }
0x49: {  	_ =	swait.ge [sflag:s0], $0x80  }
0x4a: {  	[sflag:s0] =	ssyncset.done $0x0  }
0x4b: {  	s30 =	sadd.s32 $0x0, s24;
	[sflag:s0] =	ssyncadd.s32 $0xFFFFFF80  }
0x4c: {  	[tilespmem:s1], [sflag:$0x1] =	stream.linear.gather [hbm4b:s30+s5], $0x80, $0x38;
	[tilespmem:$0x18100] =	vst v63  }
0x4d: {  	_ =	swait.ge [sflag:s0], $0x80  }
0x4e: {  	[sflag:s0] =	ssyncset.done $0x0  }
0x4f: {  	[sflag:s0] =	ssyncadd.s32 $0xFFFFFF80  }
0x50: {  	[tilespmem:s2], [sflag:$0x1] =	stream.indirect.gather [hbm4b:s6+s1], $0x40, s5, s1, $0xb8;
	[tilespmem:$0x18100] =	vst v63  }
0x51: {  	_ =	swait.ge [sflag:s0], $0x2000  }
0x52: {  	[sflag:s0] =	ssyncset.done $0x0  }
0x53: {  	[sflag:s0] =	ssyncadd.s32 $0xFFFFE000  }
0x54: {  	[spmem:s3] =	stream.indirect.scatter.add.f32 [tilespmem:s2], [sflag:$0x1], $0x40, s1, s1, $0xb8;
	[tilespmem:$0x18100] =	vst v63  }
0x55: {  	_ =	swait.ge [sflag:s0], $0x2000  }
0x56: {  	[sflag:s0] =	ssyncset.done $0x0  }
0x57: {  	[sflag:s0] =	ssyncadd.s32 $0xFFFFE000  }
0x58: {  	[tilespmem:s9], [sflag:$0x1] =	stream.indirect.gather [hbm4b:s7+s1], $0x40, s1, s1, $0xb8;
	[tilespmem:$0x18100] =	vst v63  }
0x59: {  	_ =	swait.ge [sflag:s0], $0x2000  }
0x5a: {  	[sflag:s0] =	ssyncset.done $0x0  }
0x5b: {  	[sflag:s0] =	ssyncadd.s32 $0xFFFFE000  }
0x5c: {  	[spmem:s4] =	stream.indirect.scatter.add.f32 [tilespmem:s9], [sflag:$0x1], $0x40, s5, s1, $0xb8;
	[tilespmem:$0x18100] =	vst v63  }
0x5d: {  	_ =	swait.ge [sflag:s0], $0x2000  }
0x5e: {  	s26 =	simm.s32 $0x20;
	s20 =	simm.s32 $0x10;
	[sflag:s0] =	ssyncset.done $0x0  }
.LBB2_2:
0x5f: {  	s28 =	sadd.s32 s20, s25  }
0x60: {  	[sflag:s0] =	ssyncadd.s32 $0xFFFFE000;
	s29 =	smov.u32 s26;
	s30 =	sadd.s32 $0x10, s26  }
0x61: {  	[tilespmem:s5], [sflag:$0x1] =	stream.linear.gather [hbm4b:s28+s5], $0x80, $0x38;
	[tilespmem:$0x18100] =	vst v63  }
0x62: {  	p0 =	sne.s32 s26, $0x4E0;
	_ =	swait.ge [sflag:s0], $0x80  }
0x63: {  	[sflag:s0] =	ssyncset.done $0x0  }
0x64: {  	s26 =	sadd.s32 s20, s24;
	s20 =	smov.u32 s29;
	[sflag:s0] =	ssyncadd.s32 $0xFFFFFF80  }
0x65: {  	[tilespmem:s1], [sflag:$0x1] =	stream.linear.gather [hbm4b:s26+s5], $0x80, $0x38;
	[tilespmem:$0x18100] =	vst v63  }
0x66: {  	_ =	swait.ge [sflag:s0], $0x80  }
0x67: {  	[sflag:s0] =	ssyncset.done $0x0  }
0x68: {  	[sflag:s0] =	ssyncadd.s32 $0xFFFFFF80  }
0x69: {  	[tilespmem:s2], [sflag:$0x1] =	stream.indirect.gather [hbm4b:s6+s1], $0x40, s5, s1, $0xb8;
	[tilespmem:$0x18100] =	vst v63  }
0x6a: {  	_ =	swait.ge [sflag:s0], $0x2000  }
0x6b: {  	[sflag:s0] =	ssyncset.done $0x0  }
0x6c: {  	[sflag:s0] =	ssyncadd.s32 $0xFFFFE000  }
0x6d: {  	[spmem:s3] =	stream.indirect.scatter.add.f32 [tilespmem:s2], [sflag:$0x1], $0x40, s1, s1, $0xb8;
	[tilespmem:$0x18100] =	vst v63  }
0x6e: {  	_ =	swait.ge [sflag:s0], $0x2000  }
0x6f: {  	[sflag:s0] =	ssyncset.done $0x0  }
0x70: {  	[sflag:s0] =	ssyncadd.s32 $0xFFFFE000  }
0x71: {  	[tilespmem:s9], [sflag:$0x1] =	stream.indirect.gather [hbm4b:s7+s1], $0x40, s1, s1, $0xb8;
	[tilespmem:$0x18100] =	vst v63  }
0x72: {  	_ =	swait.ge [sflag:s0], $0x2000  }
.Ltmp0:
0x73: {  	[sflag:s0] =	ssyncset.done $0x0;
	(pc) =	sbr.rel @p0 .LBB2_2-.Ltmp0, $4  }
0x74: {  	[sflag:s0] =	ssyncadd.s32 $0xFFFFE000  }
0x75: {  	[spmem:s4] =	stream.indirect.scatter.add.f32 [tilespmem:s9], [sflag:$0x1], $0x40, s5, s1, $0xb8;
	[tilespmem:$0x18100] =	vst v63  }
0x76: {  	_ =	swait.ge [sflag:s0], $0x2000  }
0x77: {  	s26 =	smov.u32 s30;
	[sflag:s0] =	ssyncset.done $0x0  }
0x78: {  	s26 =	sadd.s32 s20, s25;
	[sflag:s0] =	ssyncadd.s32 $0xFFFFE000  }
0x79: {  	[tilespmem:s5], [sflag:$0x1] =	stream.linear.gather [hbm4b:s26+s5], $0x80, $0x38;
	[tilespmem:$0x18100] =	vst v63  }
0x7a: {  	_ =	swait.ge [sflag:s0], $0x80  }
0x7b: {  	[sflag:s0] =	ssyncset.done $0x0  }
0x7c: {  	s26 =	sadd.s32 s20, s24;
	[sflag:s0] =	ssyncadd.s32 $0xFFFFFF80  }
0x7d: {  	[tilespmem:s1], [sflag:$0x1] =	stream.linear.gather [hbm4b:s26+s5], $0x80, $0x38;
	[tilespmem:$0x18100] =	vst v63  }
0x7e: {  	_ =	swait.ge [sflag:s0], $0x80  }
0x7f: {  	[sflag:s0] =	ssyncset.done $0x0  }
0x80: {  	[sflag:s0] =	ssyncadd.s32 $0xFFFFFF80  }
0x81: {  	[tilespmem:s2], [sflag:$0x1] =	stream.indirect.gather [hbm4b:s6+s1], $0x40, s5, s1, $0xb8;
	[tilespmem:$0x18100] =	vst v63  }
0x82: {  	_ =	swait.ge [sflag:s0], $0x2000  }
0x83: {  	[sflag:s0] =	ssyncset.done $0x0  }
0x84: {  	[sflag:s0] =	ssyncadd.s32 $0xFFFFE000  }
0x85: {  	[spmem:s3] =	stream.indirect.scatter.add.f32 [tilespmem:s2], [sflag:$0x1], $0x40, s1, s1, $0xb8;
	[tilespmem:$0x18100] =	vst v63  }
0x86: {  	_ =	swait.ge [sflag:s0], $0x2000  }
0x87: {  	[sflag:s0] =	ssyncset.done $0x0  }
0x88: {  	[sflag:s0] =	ssyncadd.s32 $0xFFFFE000  }
0x89: {  	[tilespmem:s9], [sflag:$0x1] =	stream.indirect.gather [hbm4b:s7+s1], $0x40, s1, s1, $0xb8;
	[tilespmem:$0x18100] =	vst v63  }
0x8a: {  	_ =	swait.ge [sflag:s0], $0x2000  }
0x8b: {  	[sflag:s0] =	ssyncset.done $0x0  }
0x8c: {  	[sflag:s0] =	ssyncadd.s32 $0xFFFFE000  }
0x8d: {  	[spmem:s4] =	stream.indirect.scatter.add.f32 [tilespmem:s9], [sflag:$0x1], $0x40, s5, s1, $0xb8;
	[tilespmem:$0x18100] =	vst v63  }
0x8e: {  	_ =	swait.ge [sflag:s0], $0x2000  }
0x8f: {  	[sflag:s0] =	ssyncset.done $0x0  }
0x90: {  	[sflag:s0] =	ssyncadd.s32 $0xFFFFE000  }
0x91: {  	[bflag:$0x0] =	sbarrier.arrive $0xFFFF  }
0x92: {  	[tilespmem:s2], [sflag:$0x1] =	stream.linear.gather [spmem:s8], $0x2000, $0x38;
	[tilespmem:$0x18100] =	vst v63  }
0x93: {  	_ =	swait.ge [sflag:s0], $0x2000  }
0x94: {  	[sflag:s0] =	ssyncset.done $0x0  }
0x95: {  	s28 =	rddreg [dreg:$0x6];
	[sflag:s0] =	ssyncadd.s32 $0xFFFFE000  }
0x96: {  	[hbm4b:s28+s5] =	stream.linear.scatter [tilespmem:s2], [sflag:$0x1], $0x2000, $0x38;
	[tilespmem:$0x18100] =	vst v63  }
0x97: {  	_ =	swait.ge [sflag:s0], $0x2000  }
0x98: {  	[sflag:s0] =	ssyncset.done $0x0  }
0x99: {  	[sflag:s0] =	ssyncadd.s32 $0xFFFFE000  }
0x9a: {  	[tilespmem:s9], [sflag:$0x1] =	stream.linear.gather [spmem:s10], $0x2000, $0x38;
	[tilespmem:$0x18100] =	vst v63  }
0x9b: {  	_ =	swait.ge [sflag:s0], $0x2000  }
0x9c: {  	[sflag:s0] =	ssyncset.done $0x0  }
0x9d: {  	s29 =	rddreg [dreg:$0x8];
	[sflag:s0] =	ssyncadd.s32 $0xFFFFE000  }
0x9e: {  	[hbm4b:s29+s5] =	stream.linear.scatter [tilespmem:s9], [sflag:$0x1], $0x2000, $0x38;
	[tilespmem:$0x18100] =	vst v63  }
0x9f: {  	_ =	swait.ge [sflag:s0], $0x2000  }
0xa0: {  	[sflag:s0] =	ssyncset.done $0x0  }
0xa1: {  	[sflag:s0] =	ssyncadd.s32 $0xFFFFE000  }
0xa2: {  	[tilespmem:s2], [sflag:$0x1] =	stream.linear.gather [spmem:s11], $0x2000, $0x38;
	[tilespmem:$0x18100] =	vst v63  }
0xa3: {  	_ =	swait.ge [sflag:s0], $0x2000  }
0xa4: {  	[sflag:s0] =	ssyncset.done $0x0  }
0xa5: {  	s30 =	rddreg [dreg:$0x7];
	[sflag:s0] =	ssyncadd.s32 $0xFFFFE000  }
0xa6: {  	[hbm4b:s30+s5] =	stream.linear.scatter [tilespmem:s2], [sflag:$0x1], $0x2000, $0x38;
	[tilespmem:$0x18100] =	vst v63  }
0xa7: {  	_ =	swait.ge [sflag:s0], $0x2000  }
0xa8: {  	[sflag:s0] =	ssyncset.done $0x0  }
0xa9: {  	[sflag:s0] =	ssyncadd.s32 $0xFFFFE000  }
0xaa: {  	[tilespmem:s9], [sflag:$0x1] =	stream.linear.gather [spmem:s12], $0x2000, $0x38;
	[tilespmem:$0x18100] =	vst v63  }
0xab: {  	_ =	swait.ge [sflag:s0], $0x2000  }
0xac: {  	[sflag:s0] =	ssyncset.done $0x0  }
0xad: {  	s26 =	rddreg [dreg:$0x9];
	[sflag:s0] =	ssyncadd.s32 $0xFFFFE000  }
0xae: {  	[hbm4b:s26+s5] =	stream.linear.scatter [tilespmem:s9], [sflag:$0x1], $0x2000, $0x38;
	[tilespmem:$0x18100] =	vst v63  }
0xaf: {  	_ =	swait.ge [sflag:s0], $0x2000  }
0xb0: {  	[sflag:s0] =	ssyncset.done $0x0  }
0xb1: {  	[sflag:s0] =	ssyncadd.s32 $0xFFFFE000  }
0xb2: {  	[tilespmem:s2], [sflag:$0x1] =	stream.linear.gather [spmem:s13], $0x2000, $0x38;
	[tilespmem:$0x18100] =	vst v63  }
0xb3: {  	_ =	swait.ge [sflag:s0], $0x2000  }
0xb4: {  	[sflag:s0] =	ssyncset.done $0x0  }
0xb5: {  	[sflag:s0] =	ssyncadd.s32 $0xFFFFE000  }
0xb6: {  	[hbm4b:s21+s5] =	stream.linear.scatter [tilespmem:s2], [sflag:$0x1], $0x2000, $0x38;
	[tilespmem:$0x18100] =	vst v63  }
0xb7: {  	_ =	swait.ge [sflag:s0], $0x2000  }
0xb8: {  	[sflag:s0] =	ssyncset.done $0x0  }
0xb9: {  	[sflag:s0] =	ssyncadd.s32 $0xFFFFE000  }
0xba: {  	[tilespmem:s9], [sflag:$0x1] =	stream.linear.gather [spmem:s14], $0x2000, $0x38;
	[tilespmem:$0x18100] =	vst v63  }
0xbb: {  	_ =	swait.ge [sflag:s0], $0x2000  }
0xbc: {  	[sflag:s0] =	ssyncset.done $0x0  }
0xbd: {  	s28 =	rddreg [dreg:$0xa];
	[sflag:s0] =	ssyncadd.s32 $0xFFFFE000  }
0xbe: {  	[hbm4b:s28+s5] =	stream.linear.scatter [tilespmem:s9], [sflag:$0x1], $0x2000, $0x38;
	[tilespmem:$0x18100] =	vst v63  }
0xbf: {  	_ =	swait.ge [sflag:s0], $0x2000  }
0xc0: {  	[sflag:s0] =	ssyncset.done $0x0  }
0xc1: {  	[sflag:s0] =	ssyncadd.s32 $0xFFFFE000  }
0xc2: {  	[tilespmem:s2], [sflag:$0x1] =	stream.linear.gather [spmem:s15], $0x2000, $0x38;
	[tilespmem:$0x18100] =	vst v63  }
0xc3: {  	_ =	swait.ge [sflag:s0], $0x2000  }
0xc4: {  	[sflag:s0] =	ssyncset.done $0x0  }
0xc5: {  	[sflag:s0] =	ssyncadd.s32 $0xFFFFE000  }
0xc6: {  	[hbm4b:s22+s5] =	stream.linear.scatter [tilespmem:s2], [sflag:$0x1], $0x2000, $0x38;
	[tilespmem:$0x18100] =	vst v63  }
0xc7: {  	_ =	swait.ge [sflag:s0], $0x2000  }
0xc8: {  	[sflag:s0] =	ssyncset.done $0x0  }
0xc9: {  	[sflag:s0] =	ssyncadd.s32 $0xFFFFE000  }
0xca: {  	[tilespmem:s9], [sflag:$0x1] =	stream.linear.gather [spmem:s16], $0x2000, $0x38;
	[tilespmem:$0x18100] =	vst v63  }
0xcb: {  	_ =	swait.ge [sflag:s0], $0x2000  }
0xcc: {  	[sflag:s0] =	ssyncset.done $0x0  }
0xcd: {  	s29 =	rddreg [dreg:$0xb];
	[sflag:s0] =	ssyncadd.s32 $0xFFFFE000  }
0xce: {  	[hbm4b:s29+s5] =	stream.linear.scatter [tilespmem:s9], [sflag:$0x1], $0x2000, $0x38;
	[tilespmem:$0x18100] =	vst v63  }
0xcf: {  	_ =	swait.ge [sflag:s0], $0x2000  }
0xd0: {  	[sflag:s0] =	ssyncset.done $0x0  }
0xd1: {  	[sflag:s0] =	ssyncadd.s32 $0xFFFFE000  }
0xd2: {  	[tilespmem:s2], [sflag:$0x1] =	stream.linear.gather [spmem:s17], $0x2000, $0x38;
	[tilespmem:$0x18100] =	vst v63  }
0xd3: {  	_ =	swait.ge [sflag:s0], $0x2000  }
0xd4: {  	[sflag:s0] =	ssyncset.done $0x0  }
0xd5: {  	[sflag:s0] =	ssyncadd.s32 $0xFFFFE000  }
0xd6: {  	[hbm4b:s23+s5] =	stream.linear.scatter [tilespmem:s2], [sflag:$0x1], $0x2000, $0x38;
	[tilespmem:$0x18100] =	vst v63  }
0xd7: {  	_ =	swait.ge [sflag:s0], $0x2000  }
0xd8: {  	[sflag:s0] =	ssyncset.done $0x0  }
0xd9: {  	[sflag:s0] =	ssyncadd.s32 $0xFFFFE000  }
0xda: {  	[tilespmem:s9], [sflag:$0x1] =	stream.linear.gather [spmem:s18], $0x2000, $0x38;
	[tilespmem:$0x18100] =	vst v63  }
0xdb: {  	_ =	swait.ge [sflag:s0], $0x2000  }
0xdc: {  	[sflag:s0] =	ssyncset.done $0x0  }
0xdd: {  	[sflag:s0] =	ssyncadd.s32 $0xFFFFE000  }
0xde: {  	[hbm4b:s31+s5] =	stream.linear.scatter [tilespmem:s9], [sflag:$0x1], $0x2000, $0x38;
	[tilespmem:$0x18100] =	vst v63  }
0xdf: {  	_ =	swait.ge [sflag:s0], $0x2000  }
0xe0: {  	s19 =	sadd.s32 $0x1, s19;
	s30 =	rddreg [dreg:$0x5]  }
0xe1: {  	p0 =	sne.s32 s19, s30  }
.Ltmp1:
0xe2: {  	_ = 	snop;
	(pc) =	sbr.rel @p0 .LBB2_1-.Ltmp1, $3  }
0xe3: {  	_ =	sdelay $0x1  }
0xe4: {  	[sflag:s0] =	ssyncset.done $0x0  }
0xe5: {  	[sflag:s0] =	ssyncadd.s32 $0xFFFFE000  }
0xe6: {  	_ =	sfence.sel $0x180000  }
0xe7: {  	[bflag:$0x0] =	sbarrier.arrive $0xFFFF  }
0xe8: {  	_ =	strace $0x9000004A  }
0xe9: {  	s0 =	stileid.u32;
	[bflag:$0x2] =	sbarrier.arrive $0xFFFF  }
0xea: {  	p0 =	sne.s32 s0, $0x0;
	s0 =	rddreg [dreg:$0x4]  }
0xeb: {  	s0 =	sadd.s32 @!p0 $0x100000, s0  }
0xec: {  	[sflag:s0] =	ssyncadd.tile.s32 @!p0 $0x1;
	_ =	shalt  }
.Lfunc_end2:
_tile_overlayer_lowered:
.L_overlay_start_2:
0xed: {  	(tag) =	ssettag $0x2  }
0xee: {  	s0 =	rddreg [dreg:$0x0];
	s2 =	stileid.u32  }
0xef: {  	s1 =	rddreg [dreg:$0x1];
	p0 =	sne.s32 s2, $0x0  }
0xf0: {  	s3 =	rddreg [dreg:$0x2];
	[bflag:$0x3] =	sbarrier.arrive $0xFFFF;
	s2 =	simm.s32 @!p0 $0x1C01  }
0xf1: {  	[timem:s3], [sflag:s2] =	dma.local @!p0 [hbm:s0], s1  }
0xf2: {  	s0 =	simm.s32 @!p0 $0x1  }
0xf3: {  	_ =	swait.ge @!p0 [sflag:s0], s1  }
0xf4: {  	s1 =	ssub.s32 @!p0 $0x0, s1;
	[sflag:s0] =	ssyncset.done @!p0 $0x0  }
0xf5: {  	[sflag:s0] =	ssyncadd.s32 @!p0 s1  }
0xf6: {  	[bflag:$0x3] =	sbarrier.arrive $0xFFFF  }
0xf7: {  	_ =	shalt  }

</sc_bundles>
